<compile_context>
chip_gen: v7x
topology: tpu7x:2x2x1
jax: 0.10.2.dev20260603
libtpu: 0.0.44.dev20260713+nightly
codegen_flags: <defaults>
</compile_context>

<pallas_src>
import jax
import jax.numpy as jnp
from jax.experimental import pallas as pl
from jax.experimental.pallas import tpu as pltpu

_K = 2000
_KP = 2048
_MAXDET = 100
_CONF = 0.3
_NMS = 0.45
_NEG = -1e9
_BLK = 128


def _decode_coords(bp0, bp1, bp2, bp3, ax1, ay1, ax2, ay2):
    acx = (ax1 + ax2) / 2
    acy = (ay1 + ay2) / 2
    asx = ax2 - ax1
    asy = ay2 - ay1
    pcx = bp0 * asx + acx
    pcy = bp1 * asy + acy
    psx = jnp.exp(bp2) * asx
    psy = jnp.exp(bp3) * asy
    return pcx - psx / 2, pcy - psy / 2, pcx + psx / 2, pcy + psy / 2


def _nms_kernel(bp_r_ref, an_r_ref, bp_c_ref, an_c_ref, ts_ref,
                boxes_out_ref, score_out_ref, mt_ref):
    x1r, y1r, x2r, y2r = _decode_coords(
        bp_r_ref[0], bp_r_ref[1], bp_r_ref[2], bp_r_ref[3],
        an_r_ref[0], an_r_ref[1], an_r_ref[2], an_r_ref[3])
    arear = jnp.clip(x2r - x1r, 0) * jnp.clip(y2r - y1r, 0)
    boxes_out_ref[0] = x1r
    boxes_out_ref[1] = y1r
    boxes_out_ref[2] = x2r
    boxes_out_ref[3] = y2r

    x1c, y1c, x2c, y2c = _decode_coords(
        bp_c_ref[0], bp_c_ref[1], bp_c_ref[2], bp_c_ref[3],
        an_c_ref[0], an_c_ref[1], an_c_ref[2], an_c_ref[3])
    areac = jnp.clip(x2c - x1c, 0) * jnp.clip(y2c - y1c, 0)

    ii = jax.lax.broadcasted_iota(jnp.int32, (1, _KP), 1)

    for bi in range(_KP // _BLK):
        off = bi * _BLK
        xb1 = x1c[off:off + _BLK, :]
        yb1 = y1c[off:off + _BLK, :]
        xb2 = x2c[off:off + _BLK, :]
        yb2 = y2c[off:off + _BLK, :]
        areab = areac[off:off + _BLK, :]
        jb = off + jax.lax.broadcasted_iota(jnp.int32, (_BLK, 1), 0)
        ltx = jnp.maximum(xb1, x1r)
        lty = jnp.maximum(yb1, y1r)
        rbx = jnp.minimum(xb2, x2r)
        rby = jnp.minimum(yb2, y2r)
        wx = jnp.clip(rbx - ltx, 0)
        wy = jnp.clip(rby - lty, 0)
        inter = wx * wy
        union = areab + arear - inter
        iou = inter / jnp.maximum(union, 1e-9)
        sup = (iou > _NMS) & (ii > jb)
        mt_ref[off:off + _BLK, :] = sup.astype(jnp.bfloat16)

    def body(carry):
        keep, _ = carry
        anti = jax.lax.dot_general(
            keep.astype(jnp.bfloat16), mt_ref[...],
            (((1,), (0,)), ((), ())),
            preferred_element_type=jnp.float32)
        new_keep = (anti < 0.5).astype(jnp.float32)
        changed = jnp.any(new_keep != keep)
        return new_keep, changed

    keep0 = jnp.ones((16, _KP), jnp.float32)
    keep, _ = jax.lax.while_loop(lambda c: c[1], body,
                                 (keep0, jnp.bool_(True)))
    kv = keep[0:1, :]
    ts = ts_ref[...]
    score_out_ref[...] = jnp.where((kv > 0.5) & (ts > _CONF), ts,
                                   jnp.float32(_NEG))


def kernel(box_pred, scores, anchors):
    masked = jnp.where(scores > _CONF, scores, _NEG)
    top_scores, top_idx = jax.lax.top_k(masked, _K)
    bp = jnp.take(box_pred, top_idx, axis=0)
    an = jnp.take(anchors, top_idx, axis=0)
    bp_p = jnp.pad(bp, ((0, _KP - _K), (0, 0)))
    an_p = jnp.pad(an, ((0, _KP - _K), (0, 0)))
    ts_p = jnp.pad(top_scores, (0, _KP - _K),
                   constant_values=_NEG).reshape(1, _KP)
    bp_t = bp_p.T
    an_t = an_p.T
    boxes_t, fm = pl.pallas_call(
        _nms_kernel,
        out_shape=[
            jax.ShapeDtypeStruct((4, 1, _KP), jnp.float32),
            jax.ShapeDtypeStruct((1, _KP), jnp.float32),
        ],
        scratch_shapes=[pltpu.VMEM((_KP, _KP), jnp.bfloat16)],
    )(bp_t.reshape(4, 1, _KP), an_t.reshape(4, 1, _KP),
      bp_t.reshape(4, _KP, 1), an_t.reshape(4, _KP, 1), ts_p)
    boxes = boxes_t.reshape(4, _KP).T[:_K]
    fmv = fm.reshape(_KP)[:_K]
    det_scores, det_idx = jax.lax.top_k(fmv, _MAXDET)
    det_boxes = jnp.take(boxes, det_idx, axis=0)
    return det_boxes, det_scores

# --- scband reference (transcript-rebuilt; emitter-appended) ---
"""Pipeline reference for scband-dog-detector-77129022701615 (READ-ONLY COPY).

The authoritative reference and input builder live on the scoring server;
editing this copy changes nothing except your own understanding.
"""

import jax, jax.numpy as jnp
import numpy as np

N = 20172
PRE_NMS_TOPK = 2000
MAX_DETECTIONS = 100
CONFIDENCE_THRESHOLD = 0.3
NMS_THRESHOLD = 0.45
NEG_INF = -1e9


def setup_inputs(seed: int = 0) -> dict:
    key = jax.random.key(seed)
    k1, k2, k3, k4 = jax.random.split(key, 4)
    # raw regression outputs of the bbox head (small deltas, like std=0.01-init conv)
    box_pred = jax.random.normal(k1, (N, 4), dtype=jnp.float32) * 0.1
    # post-sigmoid confidence scores in [0, 1]
    scores = jax.random.uniform(k2, (N,), dtype=jnp.float32)
    # anchors: valid [x1, y1, x2, y2] boxes in normalized coords (buffer in the torch module)
    centers = jax.random.uniform(k3, (N, 2), dtype=jnp.float32, minval=0.1, maxval=0.9)
    sizes = jax.random.uniform(k4, (N, 2), dtype=jnp.float32, minval=0.05, maxval=0.3)
    anchors = jnp.concatenate([centers - sizes / 2, centers + sizes / 2], axis=1)
    return {"box_pred": box_pred, "scores": scores, "anchors": anchors}


def _decode_boxes(box_pred, anchors):
    # faithful port of DogDetector._decode_boxes
    anchor_centers = (anchors[:, :2] + anchors[:, 2:]) / 2
    anchor_sizes = anchors[:, 2:] - anchors[:, :2]
    pred_centers = box_pred[..., :2] * anchor_sizes + anchor_centers
    pred_sizes = jnp.exp(box_pred[..., 2:]) * anchor_sizes
    boxes = jnp.concatenate([pred_centers - pred_sizes / 2, pred_centers + pred_sizes / 2], axis=-1)
    return boxes


def _pairwise_iou(boxes):
    area = jnp.clip(boxes[:, 2] - boxes[:, 0], 0) * jnp.clip(boxes[:, 3] - boxes[:, 1], 0)
    lt = jnp.maximum(boxes[:, None, :2], boxes[None, :, :2])
    rb = jnp.minimum(boxes[:, None, 2:], boxes[None, :, 2:])
    wh = jnp.clip(rb - lt, 0)
    inter = wh[..., 0] * wh[..., 1]
    union = area[:, None] + area[None, :] - inter
    return inter / jnp.maximum(union, 1e-9)


def _nms_keep(boxes_sorted, iou_threshold):
    # greedy NMS over score-descending boxes; returns boolean keep mask
    K = boxes_sorted.shape[0]
    iou = _pairwise_iou(boxes_sorted)
    idx = jnp.arange(K)

    def body(keep, i):
        suppress = (iou[i] > iou_threshold) & (idx > i) & keep[i]
        keep = keep & (~suppress)
        return keep, None

    keep, _ = jax.lax.scan(body, jnp.ones((K,), dtype=bool), idx)
    return keep


def reference(box_pred, scores, anchors):
    # decode raw predictions against anchors (DogDetector._decode_boxes)
    boxes = _decode_boxes(box_pred, anchors)
    # confidence threshold mask (scores > CONFIDENCE_THRESHOLD), fixed-shape variant
    masked_scores = jnp.where(scores > CONFIDENCE_THRESHOLD, scores, NEG_INF)
    # pre-NMS top-k candidates (score-sorted descending)
    top_scores, top_idx = jax.lax.top_k(masked_scores, PRE_NMS_TOPK)
    top_boxes = jnp.take(boxes, top_idx, axis=0)
    # greedy NMS (efficient_nms equivalent); keep decision is non-differentiable
    keep = _nms_keep(jax.lax.stop_gradient(top_boxes), NMS_THRESHOLD)
    valid = keep & (top_scores > CONFIDENCE_THRESHOLD)
    final_masked = jnp.where(valid, top_scores, NEG_INF)
    # cap to MAX_DETECTIONS via top-k
    det_scores, det_idx = jax.lax.top_k(final_masked, MAX_DETECTIONS)
    det_boxes = jnp.take(top_boxes, det_idx, axis=0)
    return det_boxes, det_scores

if __name__ == "__main__":
    import jax
    _d = setup_inputs()
    print(jax.jit(kernel)(*tuple(_d.values())))

</pallas_src>

<mosaic_0001>
module attributes {stable_mosaic.version = 14 : i64} {
  func.func @_nms_kernel(%arg0: memref<4x1x2048xf32, #tpu.memory_space<vmem>>, %arg1: memref<4x1x2048xf32, #tpu.memory_space<vmem>>, %arg2: memref<4x2048x1xf32, #tpu.memory_space<vmem>>, %arg3: memref<4x2048x1xf32, #tpu.memory_space<vmem>>, %arg4: memref<1x2048xf32, #tpu.memory_space<vmem>>, %arg5: memref<4x1x2048xf32, #tpu.memory_space<vmem>>, %arg6: memref<1x2048xf32, #tpu.memory_space<vmem>>, %arg7: memref<2048x2048xbf16, #tpu.memory_space<vmem>>) attributes {dimension_semantics = [], scalar_prefetch = 0 : i64, scratch_operands = 1 : i64, tpu.core_type = #tpu.core_type<tc>} {
    %get3A = arith.constant 0 : index
    %get3A_0 = arith.constant 0 : index
    %get3A_1 = arith.constant 0 : index
    %get3A_2 = vector.load %arg0[%get3A, %get3A_0, %get3A_1] : memref<4x1x2048xf32, #tpu.memory_space<vmem>>, vector<1x1x2048xf32>
    %get3A_3 = vector.shape_cast %get3A_2 : vector<1x1x2048xf32> to vector<1x2048xf32>
    %get3A_4 = arith.constant 1 : index
    %get3A_5 = arith.constant 0 : index
    %get3A_6 = arith.constant 0 : index
    %get3A_7 = vector.load %arg0[%get3A_4, %get3A_5, %get3A_6] : memref<4x1x2048xf32, #tpu.memory_space<vmem>>, vector<1x1x2048xf32>
    %get3A_8 = vector.shape_cast %get3A_7 : vector<1x1x2048xf32> to vector<1x2048xf32>
    %get3A_9 = arith.constant 2 : index
    %get3A_10 = arith.constant 0 : index
    %get3A_11 = arith.constant 0 : index
    %get3A_12 = vector.load %arg0[%get3A_9, %get3A_10, %get3A_11] : memref<4x1x2048xf32, #tpu.memory_space<vmem>>, vector<1x1x2048xf32>
    %get3A_13 = vector.shape_cast %get3A_12 : vector<1x1x2048xf32> to vector<1x2048xf32>
    %get3A_14 = arith.constant 3 : index
    %get3A_15 = arith.constant 0 : index
    %get3A_16 = arith.constant 0 : index
    %get3A_17 = vector.load %arg0[%get3A_14, %get3A_15, %get3A_16] : memref<4x1x2048xf32, #tpu.memory_space<vmem>>, vector<1x1x2048xf32>
    %get3A_18 = vector.shape_cast %get3A_17 : vector<1x1x2048xf32> to vector<1x2048xf32>
    %get3A_19 = arith.constant 0 : index
    %get3A_20 = arith.constant 0 : index
    %get3A_21 = arith.constant 0 : index
    %get3A_22 = vector.load %arg1[%get3A_19, %get3A_20, %get3A_21] : memref<4x1x2048xf32, #tpu.memory_space<vmem>>, vector<1x1x2048xf32>
    %get3A_23 = vector.shape_cast %get3A_22 : vector<1x1x2048xf32> to vector<1x2048xf32>
    %get3A_24 = arith.constant 1 : index
    %get3A_25 = arith.constant 0 : index
    %get3A_26 = arith.constant 0 : index
    %get3A_27 = vector.load %arg1[%get3A_24, %get3A_25, %get3A_26] : memref<4x1x2048xf32, #tpu.memory_space<vmem>>, vector<1x1x2048xf32>
    %get3A_28 = vector.shape_cast %get3A_27 : vector<1x1x2048xf32> to vector<1x2048xf32>
    %get3A_29 = arith.constant 2 : index
    %get3A_30 = arith.constant 0 : index
    %get3A_31 = arith.constant 0 : index
    %get3A_32 = vector.load %arg1[%get3A_29, %get3A_30, %get3A_31] : memref<4x1x2048xf32, #tpu.memory_space<vmem>>, vector<1x1x2048xf32>
    %get3A_33 = vector.shape_cast %get3A_32 : vector<1x1x2048xf32> to vector<1x2048xf32>
    %get3A_34 = arith.constant 3 : index
    %get3A_35 = arith.constant 0 : index
    %get3A_36 = arith.constant 0 : index
    %get3A_37 = vector.load %arg1[%get3A_34, %get3A_35, %get3A_36] : memref<4x1x2048xf32, #tpu.memory_space<vmem>>, vector<1x1x2048xf32>
    %get3A_38 = vector.shape_cast %get3A_37 : vector<1x1x2048xf32> to vector<1x2048xf32>
    %add3A = arith.addf %get3A_23, %get3A_33 : vector<1x2048xf32>
    %div3A = arith.constant 2.000000e+00 : f32
    %div3A_39 = vector.broadcast %div3A : f32 to vector<1x2048xf32>
    %div3A_40 = arith.divf %add3A, %div3A_39 : vector<1x2048xf32>
    %add3A_41 = arith.addf %get3A_28, %get3A_38 : vector<1x2048xf32>
    %div3A_42 = arith.constant 2.000000e+00 : f32
    %div3A_43 = vector.broadcast %div3A_42 : f32 to vector<1x2048xf32>
    %div3A_44 = arith.divf %add3A_41, %div3A_43 : vector<1x2048xf32>
    %sub3A = arith.subf %get3A_33, %get3A_23 : vector<1x2048xf32>
    %sub3A_45 = arith.subf %get3A_38, %get3A_28 : vector<1x2048xf32>
    %mul3A = arith.mulf %get3A_3, %sub3A : vector<1x2048xf32>
    %add3A_46 = arith.addf %mul3A, %div3A_40 : vector<1x2048xf32>
    %mul3A_47 = arith.mulf %get3A_8, %sub3A_45 : vector<1x2048xf32>
    %add3A_48 = arith.addf %mul3A_47, %div3A_44 : vector<1x2048xf32>
    %exp3A = math.exp %get3A_13 : vector<1x2048xf32>
    %mul3A_49 = arith.mulf %exp3A, %sub3A : vector<1x2048xf32>
    %exp3A_50 = math.exp %get3A_18 : vector<1x2048xf32>
    %mul3A_51 = arith.mulf %exp3A_50, %sub3A_45 : vector<1x2048xf32>
    %div3A_52 = arith.constant 2.000000e+00 : f32
    %div3A_53 = vector.broadcast %div3A_52 : f32 to vector<1x2048xf32>
    %div3A_54 = arith.divf %mul3A_49, %div3A_53 : vector<1x2048xf32>
    %sub3A_55 = arith.subf %add3A_46, %div3A_54 : vector<1x2048xf32>
    %div3A_56 = arith.constant 2.000000e+00 : f32
    %div3A_57 = vector.broadcast %div3A_56 : f32 to vector<1x2048xf32>
    %div3A_58 = arith.divf %mul3A_51, %div3A_57 : vector<1x2048xf32>
    %sub3A_59 = arith.subf %add3A_48, %div3A_58 : vector<1x2048xf32>
    %div3A_60 = arith.constant 2.000000e+00 : f32
    %div3A_61 = vector.broadcast %div3A_60 : f32 to vector<1x2048xf32>
    %div3A_62 = arith.divf %mul3A_49, %div3A_61 : vector<1x2048xf32>
    %add3A_63 = arith.addf %add3A_46, %div3A_62 : vector<1x2048xf32>
    %div3A_64 = arith.constant 2.000000e+00 : f32
    %div3A_65 = vector.broadcast %div3A_64 : f32 to vector<1x2048xf32>
    %div3A_66 = arith.divf %mul3A_51, %div3A_65 : vector<1x2048xf32>
    %add3A_67 = arith.addf %add3A_48, %div3A_66 : vector<1x2048xf32>
    %sub3A_68 = arith.subf %add3A_63, %sub3A_55 : vector<1x2048xf32>
    %jit3A = arith.constant 0 : i32
    %convert_element_type3A = arith.sitofp %jit3A : i32 to f32
    %max3A = vector.broadcast %convert_element_type3A : f32 to vector<1x2048xf32>
    %max3A_69 = arith.maximumf %max3A, %sub3A_68 : vector<1x2048xf32>
    %sub3A_70 = arith.subf %add3A_67, %sub3A_59 : vector<1x2048xf32>
    %jit3A_71 = arith.constant 0 : i32
    %convert_element_type3A_72 = arith.sitofp %jit3A_71 : i32 to f32
    %max3A_73 = vector.broadcast %convert_element_type3A_72 : f32 to vector<1x2048xf32>
    %max3A_74 = arith.maximumf %max3A_73, %sub3A_70 : vector<1x2048xf32>
    %mul3A_75 = arith.mulf %max3A_69, %max3A_74 : vector<1x2048xf32>
    %swap3A = arith.constant 0 : index
    %swap3A_76 = arith.constant 0 : index
    %swap3A_77 = arith.constant 0 : index
    %swap3A_78 = vector.load %arg5[%swap3A, %swap3A_76, %swap3A_77] : memref<4x1x2048xf32, #tpu.memory_space<vmem>>, vector<1x1x2048xf32>
    %swap3A_79 = vector.shape_cast %swap3A_78 : vector<1x1x2048xf32> to vector<1x2048xf32>
    %swap3A_80 = vector.shape_cast %sub3A_55 : vector<1x2048xf32> to vector<1x1x2048xf32>
    tpu.vector_store %arg5[%swap3A, %swap3A_76, %swap3A_77], %swap3A_80 {strides = array<i32>} : memref<4x1x2048xf32, #tpu.memory_space<vmem>>, vector<1x1x2048xf32>,
    %swap3A_81 = arith.constant 1 : index
    %swap3A_82 = arith.constant 0 : index
    %swap3A_83 = arith.constant 0 : index
    %swap3A_84 = vector.load %arg5[%swap3A_81, %swap3A_82, %swap3A_83] : memref<4x1x2048xf32, #tpu.memory_space<vmem>>, vector<1x1x2048xf32>
    %swap3A_85 = vector.shape_cast %swap3A_84 : vector<1x1x2048xf32> to vector<1x2048xf32>
    %swap3A_86 = vector.shape_cast %sub3A_59 : vector<1x2048xf32> to vector<1x1x2048xf32>
    tpu.vector_store %arg5[%swap3A_81, %swap3A_82, %swap3A_83], %swap3A_86 {strides = array<i32>} : memref<4x1x2048xf32, #tpu.memory_space<vmem>>, vector<1x1x2048xf32>,
    %swap3A_87 = arith.constant 2 : index
    %swap3A_88 = arith.constant 0 : index
    %swap3A_89 = arith.constant 0 : index
    %swap3A_90 = vector.load %arg5[%swap3A_87, %swap3A_88, %swap3A_89] : memref<4x1x2048xf32, #tpu.memory_space<vmem>>, vector<1x1x2048xf32>
    %swap3A_91 = vector.shape_cast %swap3A_90 : vector<1x1x2048xf32> to vector<1x2048xf32>
    %swap3A_92 = vector.shape_cast %add3A_63 : vector<1x2048xf32> to vector<1x1x2048xf32>
    tpu.vector_store %arg5[%swap3A_87, %swap3A_88, %swap3A_89], %swap3A_92 {strides = array<i32>} : memref<4x1x2048xf32, #tpu.memory_space<vmem>>, vector<1x1x2048xf32>,
    %swap3A_93 = arith.constant 3 : index
    %swap3A_94 = arith.constant 0 : index
    %swap3A_95 = arith.constant 0 : index
    %swap3A_96 = vector.load %arg5[%swap3A_93, %swap3A_94, %swap3A_95] : memref<4x1x2048xf32, #tpu.memory_space<vmem>>, vector<1x1x2048xf32>
    %swap3A_97 = vector.shape_cast %swap3A_96 : vector<1x1x2048xf32> to vector<1x2048xf32>
    %swap3A_98 = vector.shape_cast %add3A_67 : vector<1x2048xf32> to vector<1x1x2048xf32>
    tpu.vector_store %arg5[%swap3A_93, %swap3A_94, %swap3A_95], %swap3A_98 {strides = array<i32>} : memref<4x1x2048xf32, #tpu.memory_space<vmem>>, vector<1x1x2048xf32>,
    %get3A_99 = arith.constant 0 : index
    %get3A_100 = arith.constant 0 : index
    %get3A_101 = arith.constant 0 : index
    %get3A_102 = vector.load %arg2[%get3A_99, %get3A_100, %get3A_101] : memref<4x2048x1xf32, #tpu.memory_space<vmem>>, vector<1x2048x1xf32>
    %get3A_103 = vector.shape_cast %get3A_102 : vector<1x2048x1xf32> to vector<2048x1xf32>
    %get3A_104 = arith.constant 1 : index
    %get3A_105 = arith.constant 0 : index
    %get3A_106 = arith.constant 0 : index
    %get3A_107 = vector.load %arg2[%get3A_104, %get3A_105, %get3A_106] : memref<4x2048x1xf32, #tpu.memory_space<vmem>>, vector<1x2048x1xf32>
    %get3A_108 = vector.shape_cast %get3A_107 : vector<1x2048x1xf32> to vector<2048x1xf32>
    %get3A_109 = arith.constant 2 : index
    %get3A_110 = arith.constant 0 : index
    %get3A_111 = arith.constant 0 : index
    %get3A_112 = vector.load %arg2[%get3A_109, %get3A_110, %get3A_111] : memref<4x2048x1xf32, #tpu.memory_space<vmem>>, vector<1x2048x1xf32>
    %get3A_113 = vector.shape_cast %get3A_112 : vector<1x2048x1xf32> to vector<2048x1xf32>
    %get3A_114 = arith.constant 3 : index
    %get3A_115 = arith.constant 0 : index
    %get3A_116 = arith.constant 0 : index
    %get3A_117 = vector.load %arg2[%get3A_114, %get3A_115, %get3A_116] : memref<4x2048x1xf32, #tpu.memory_space<vmem>>, vector<1x2048x1xf32>
    %get3A_118 = vector.shape_cast %get3A_117 : vector<1x2048x1xf32> to vector<2048x1xf32>
    %get3A_119 = arith.constant 0 : index
    %get3A_120 = arith.constant 0 : index
    %get3A_121 = arith.constant 0 : index
    %get3A_122 = vector.load %arg3[%get3A_119, %get3A_120, %get3A_121] : memref<4x2048x1xf32, #tpu.memory_space<vmem>>, vector<1x2048x1xf32>
    %get3A_123 = vector.shape_cast %get3A_122 : vector<1x2048x1xf32> to vector<2048x1xf32>
    %get3A_124 = arith.constant 1 : index
    %get3A_125 = arith.constant 0 : index
    %get3A_126 = arith.constant 0 : index
    %get3A_127 = vector.load %arg3[%get3A_124, %get3A_125, %get3A_126] : memref<4x2048x1xf32, #tpu.memory_space<vmem>>, vector<1x2048x1xf32>
    %get3A_128 = vector.shape_cast %get3A_127 : vector<1x2048x1xf32> to vector<2048x1xf32>
    %get3A_129 = arith.constant 2 : index
    %get3A_130 = arith.constant 0 : index
    %get3A_131 = arith.constant 0 : index
    %get3A_132 = vector.load %arg3[%get3A_129, %get3A_130, %get3A_131] : memref<4x2048x1xf32, #tpu.memory_space<vmem>>, vector<1x2048x1xf32>
    %get3A_133 = vector.shape_cast %get3A_132 : vector<1x2048x1xf32> to vector<2048x1xf32>
    %get3A_134 = arith.constant 3 : index
    %get3A_135 = arith.constant 0 : index
    %get3A_136 = arith.constant 0 : index
    %get3A_137 = vector.load %arg3[%get3A_134, %get3A_135, %get3A_136] : memref<4x2048x1xf32, #tpu.memory_space<vmem>>, vector<1x2048x1xf32>
    %get3A_138 = vector.shape_cast %get3A_137 : vector<1x2048x1xf32> to vector<2048x1xf32>
    %add3A_139 = arith.addf %get3A_123, %get3A_133 : vector<2048x1xf32>
    %div3A_140 = arith.constant 2.000000e+00 : f32
    %div3A_141 = vector.broadcast %div3A_140 : f32 to vector<2048x1xf32>
    %div3A_142 = arith.divf %add3A_139, %div3A_141 : vector<2048x1xf32>
    %add3A_143 = arith.addf %get3A_128, %get3A_138 : vector<2048x1xf32>
    %div3A_144 = arith.constant 2.000000e+00 : f32
    %div3A_145 = vector.broadcast %div3A_144 : f32 to vector<2048x1xf32>
    %div3A_146 = arith.divf %add3A_143, %div3A_145 : vector<2048x1xf32>
    %sub3A_147 = arith.subf %get3A_133, %get3A_123 : vector<2048x1xf32>
    %sub3A_148 = arith.subf %get3A_138, %get3A_128 : vector<2048x1xf32>
    %mul3A_149 = arith.mulf %get3A_103, %sub3A_147 : vector<2048x1xf32>
    %add3A_150 = arith.addf %mul3A_149, %div3A_142 : vector<2048x1xf32>
    %mul3A_151 = arith.mulf %get3A_108, %sub3A_148 : vector<2048x1xf32>
    %add3A_152 = arith.addf %mul3A_151, %div3A_146 : vector<2048x1xf32>
    %exp3A_153 = math.exp %get3A_113 : vector<2048x1xf32>
    %mul3A_154 = arith.mulf %exp3A_153, %sub3A_147 : vector<2048x1xf32>
    %exp3A_155 = math.exp %get3A_118 : vector<2048x1xf32>
    %mul3A_156 = arith.mulf %exp3A_155, %sub3A_148 : vector<2048x1xf32>
    %div3A_157 = arith.constant 2.000000e+00 : f32
    %div3A_158 = vector.broadcast %div3A_157 : f32 to vector<2048x1xf32>
    %div3A_159 = arith.divf %mul3A_154, %div3A_158 : vector<2048x1xf32>
    %sub3A_160 = arith.subf %add3A_150, %div3A_159 : vector<2048x1xf32>
    %div3A_161 = arith.constant 2.000000e+00 : f32
    %div3A_162 = vector.broadcast %div3A_161 : f32 to vector<2048x1xf32>
    %div3A_163 = arith.divf %mul3A_156, %div3A_162 : vector<2048x1xf32>
    %sub3A_164 = arith.subf %add3A_152, %div3A_163 : vector<2048x1xf32>
    %div3A_165 = arith.constant 2.000000e+00 : f32
    %div3A_166 = vector.broadcast %div3A_165 : f32 to vector<2048x1xf32>
    %div3A_167 = arith.divf %mul3A_154, %div3A_166 : vector<2048x1xf32>
    %add3A_168 = arith.addf %add3A_150, %div3A_167 : vector<2048x1xf32>
    %div3A_169 = arith.constant 2.000000e+00 : f32
    %div3A_170 = vector.broadcast %div3A_169 : f32 to vector<2048x1xf32>
    %div3A_171 = arith.divf %mul3A_156, %div3A_170 : vector<2048x1xf32>
    %add3A_172 = arith.addf %add3A_152, %div3A_171 : vector<2048x1xf32>
    %sub3A_173 = arith.subf %add3A_168, %sub3A_160 : vector<2048x1xf32>
    %jit3A_174 = arith.constant 0 : i32
    %convert_element_type3A_175 = arith.sitofp %jit3A_174 : i32 to f32
    %max3A_176 = vector.broadcast %convert_element_type3A_175 : f32 to vector<2048x1xf32>
    %max3A_177 = arith.maximumf %max3A_176, %sub3A_173 : vector<2048x1xf32>
    %sub3A_178 = arith.subf %add3A_172, %sub3A_164 : vector<2048x1xf32>
    %jit3A_179 = arith.constant 0 : i32
    %convert_element_type3A_180 = arith.sitofp %jit3A_179 : i32 to f32
    %max3A_181 = vector.broadcast %convert_element_type3A_180 : f32 to vector<2048x1xf32>
    %max3A_182 = arith.maximumf %max3A_181, %sub3A_178 : vector<2048x1xf32>
    %mul3A_183 = arith.mulf %max3A_177, %max3A_182 : vector<2048x1xf32>
    %iota3A = tpu.iota {dimensions = array<i32: 1>} : vector<1x2048xi32>
    %slice3A = vector.extract_strided_slice %sub3A_160 {offsets = [0, 0], sizes = [128, 1], strides = [1, 1]} : vector<2048x1xf32> to vector<128x1xf32>
    %slice3A_184 = vector.extract_strided_slice %sub3A_164 {offsets = [0, 0], sizes = [128, 1], strides = [1, 1]} : vector<2048x1xf32> to vector<128x1xf32>
    %slice3A_185 = vector.extract_strided_slice %add3A_168 {offsets = [0, 0], sizes = [128, 1], strides = [1, 1]} : vector<2048x1xf32> to vector<128x1xf32>
    %slice3A_186 = vector.extract_strided_slice %add3A_172 {offsets = [0, 0], sizes = [128, 1], strides = [1, 1]} : vector<2048x1xf32> to vector<128x1xf32>
    %slice3A_187 = vector.extract_strided_slice %mul3A_183 {offsets = [0, 0], sizes = [128, 1], strides = [1, 1]} : vector<2048x1xf32> to vector<128x1xf32>
    %iota3A_188 = tpu.iota {dimensions = array<i32: 0>} : vector<128x1xi32>
    %add3A_189 = arith.constant 0 : i32
    %add3A_190 = vector.broadcast %add3A_189 : i32 to vector<128x1xi32>
    %add3A_191 = arith.addi %add3A_190, %iota3A_188 : vector<128x1xi32>
    %max3A_192 = vector.broadcast %slice3A : vector<128x1xf32> to vector<128x2048xf32>
    %max3A_193 = vector.broadcast %sub3A_55 : vector<1x2048xf32> to vector<128x2048xf32>
    %max3A_194 = arith.maximumf %max3A_192, %max3A_193 : vector<128x2048xf32>
    %max3A_195 = vector.broadcast %slice3A_184 : vector<128x1xf32> to vector<128x2048xf32>
    %max3A_196 = vector.broadcast %sub3A_59 : vector<1x2048xf32> to vector<128x2048xf32>
    %max3A_197 = arith.maximumf %max3A_195, %max3A_196 : vector<128x2048xf32>
    %min3A = vector.broadcast %slice3A_185 : vector<128x1xf32> to vector<128x2048xf32>
    %min3A_198 = vector.broadcast %add3A_63 : vector<1x2048xf32> to vector<128x2048xf32>
    %min3A_199 = arith.minimumf %min3A, %min3A_198 : vector<128x2048xf32>
    %min3A_200 = vector.broadcast %slice3A_186 : vector<128x1xf32> to vector<128x2048xf32>
    %min3A_201 = vector.broadcast %add3A_67 : vector<1x2048xf32> to vector<128x2048xf32>
    %min3A_202 = arith.minimumf %min3A_200, %min3A_201 : vector<128x2048xf32>
    %sub3A_203 = arith.subf %min3A_199, %max3A_194 : vector<128x2048xf32>
    %jit3A_204 = arith.constant 0 : i32
    %convert_element_type3A_205 = arith.sitofp %jit3A_204 : i32 to f32
    %max3A_206 = vector.broadcast %convert_element_type3A_205 : f32 to vector<128x2048xf32>
    %max3A_207 = arith.maximumf %max3A_206, %sub3A_203 : vector<128x2048xf32>
    %sub3A_208 = arith.subf %min3A_202, %max3A_197 : vector<128x2048xf32>
    %jit3A_209 = arith.constant 0 : i32
    %convert_element_type3A_210 = arith.sitofp %jit3A_209 : i32 to f32
    %max3A_211 = vector.broadcast %convert_element_type3A_210 : f32 to vector<128x2048xf32>
    %max3A_212 = arith.maximumf %max3A_211, %sub3A_208 : vector<128x2048xf32>
    %mul3A_213 = arith.mulf %max3A_207, %max3A_212 : vector<128x2048xf32>
    %add3A_214 = vector.broadcast %slice3A_187 : vector<128x1xf32> to vector<128x2048xf32>
    %add3A_215 = vector.broadcast %mul3A_75 : vector<1x2048xf32> to vector<128x2048xf32>
    %add3A_216 = arith.addf %add3A_214, %add3A_215 : vector<128x2048xf32>
    %sub3A_217 = arith.subf %add3A_216, %mul3A_213 : vector<128x2048xf32>
    %max3A_218 = arith.constant 9.99999971E-10 : f32
    %max3A_219 = vector.broadcast %max3A_218 : f32 to vector<128x2048xf32>
    %max3A_220 = arith.maximumf %sub3A_217, %max3A_219 : vector<128x2048xf32>
    %div3A_221 = arith.divf %mul3A_213, %max3A_220 : vector<128x2048xf32>
    %gt3A = arith.constant 4.500000e-01 : f32
    %gt3A_222 = vector.broadcast %gt3A : f32 to vector<128x2048xf32>
    %gt3A_223 = arith.cmpf ogt, %div3A_221, %gt3A_222 : vector<128x2048xf32>
    %gt3A_224 = vector.broadcast %iota3A : vector<1x2048xi32> to vector<128x2048xi32>
    %gt3A_225 = vector.broadcast %add3A_191 : vector<128x1xi32> to vector<128x2048xi32>
    %gt3A_226 = arith.cmpi sgt, %gt3A_224, %gt3A_225 : vector<128x2048xi32>
    %and3A = arith.andi %gt3A_223, %gt3A_226 : vector<128x2048xi1>
    %convert_element_type3A_227 = arith.extui %and3A : vector<128x2048xi1> to vector<128x2048xi32>
    %convert_element_type3A_228 = arith.sitofp %convert_element_type3A_227 : vector<128x2048xi32> to vector<128x2048xf32>
    %convert_element_type3A_229 = arith.truncf %convert_element_type3A_228 : vector<128x2048xf32> to vector<128x2048xbf16>
    %swap3A_230 = arith.constant 0 : index
    %swap3A_231 = arith.constant 0 : index
    %swap3A_232 = vector.load %arg7[%swap3A_230, %swap3A_231] : memref<2048x2048xbf16, #tpu.memory_space<vmem>>, vector<128x2048xbf16>
    tpu.vector_store %arg7[%swap3A_230, %swap3A_231], %convert_element_type3A_229 {strides = array<i32>} : memref<2048x2048xbf16, #tpu.memory_space<vmem>>, vector<128x2048xbf16>,
    %slice3A_233 = vector.extract_strided_slice %sub3A_160 {offsets = [128, 0], sizes = [128, 1], strides = [1, 1]} : vector<2048x1xf32> to vector<128x1xf32>
    %slice3A_234 = vector.extract_strided_slice %sub3A_164 {offsets = [128, 0], sizes = [128, 1], strides = [1, 1]} : vector<2048x1xf32> to vector<128x1xf32>
    %slice3A_235 = vector.extract_strided_slice %add3A_168 {offsets = [128, 0], sizes = [128, 1], strides = [1, 1]} : vector<2048x1xf32> to vector<128x1xf32>
    %slice3A_236 = vector.extract_strided_slice %add3A_172 {offsets = [128, 0], sizes = [128, 1], strides = [1, 1]} : vector<2048x1xf32> to vector<128x1xf32>
    %slice3A_237 = vector.extract_strided_slice %mul3A_183 {offsets = [128, 0], sizes = [128, 1], strides = [1, 1]} : vector<2048x1xf32> to vector<128x1xf32>
    %iota3A_238 = tpu.iota {dimensions = array<i32: 0>} : vector<128x1xi32>
    %add3A_239 = arith.constant 128 : i32
    %add3A_240 = vector.broadcast %add3A_239 : i32 to vector<128x1xi32>
    %add3A_241 = arith.addi %add3A_240, %iota3A_238 : vector<128x1xi32>
    %max3A_242 = vector.broadcast %slice3A_233 : vector<128x1xf32> to vector<128x2048xf32>
    %max3A_243 = vector.broadcast %sub3A_55 : vector<1x2048xf32> to vector<128x2048xf32>
    %max3A_244 = arith.maximumf %max3A_242, %max3A_243 : vector<128x2048xf32>
    %max3A_245 = vector.broadcast %slice3A_234 : vector<128x1xf32> to vector<128x2048xf32>
    %max3A_246 = vector.broadcast %sub3A_59 : vector<1x2048xf32> to vector<128x2048xf32>
    %max3A_247 = arith.maximumf %max3A_245, %max3A_246 : vector<128x2048xf32>
    %min3A_248 = vector.broadcast %slice3A_235 : vector<128x1xf32> to vector<128x2048xf32>
    %min3A_249 = vector.broadcast %add3A_63 : vector<1x2048xf32> to vector<128x2048xf32>
    %min3A_250 = arith.minimumf %min3A_248, %min3A_249 : vector<128x2048xf32>
    %min3A_251 = vector.broadcast %slice3A_236 : vector<128x1xf32> to vector<128x2048xf32>
    %min3A_252 = vector.broadcast %add3A_67 : vector<1x2048xf32> to vector<128x2048xf32>
    %min3A_253 = arith.minimumf %min3A_251, %min3A_252 : vector<128x2048xf32>
    %sub3A_254 = arith.subf %min3A_250, %max3A_244 : vector<128x2048xf32>
    %jit3A_255 = arith.constant 0 : i32
    %convert_element_type3A_256 = arith.sitofp %jit3A_255 : i32 to f32
    %max3A_257 = vector.broadcast %convert_element_type3A_256 : f32 to vector<128x2048xf32>
    %max3A_258 = arith.maximumf %max3A_257, %sub3A_254 : vector<128x2048xf32>
    %sub3A_259 = arith.subf %min3A_253, %max3A_247 : vector<128x2048xf32>
    %jit3A_260 = arith.constant 0 : i32
    %convert_element_type3A_261 = arith.sitofp %jit3A_260 : i32 to f32
    %max3A_262 = vector.broadcast %convert_element_type3A_261 : f32 to vector<128x2048xf32>
    %max3A_263 = arith.maximumf %max3A_262, %sub3A_259 : vector<128x2048xf32>
    %mul3A_264 = arith.mulf %max3A_258, %max3A_263 : vector<128x2048xf32>
    %add3A_265 = vector.broadcast %slice3A_237 : vector<128x1xf32> to vector<128x2048xf32>
    %add3A_266 = vector.broadcast %mul3A_75 : vector<1x2048xf32> to vector<128x2048xf32>
    %add3A_267 = arith.addf %add3A_265, %add3A_266 : vector<128x2048xf32>
    %sub3A_268 = arith.subf %add3A_267, %mul3A_264 : vector<128x2048xf32>
    %max3A_269 = arith.constant 9.99999971E-10 : f32
    %max3A_270 = vector.broadcast %max3A_269 : f32 to vector<128x2048xf32>
    %max3A_271 = arith.maximumf %sub3A_268, %max3A_270 : vector<128x2048xf32>
    %div3A_272 = arith.divf %mul3A_264, %max3A_271 : vector<128x2048xf32>
    %gt3A_273 = arith.constant 4.500000e-01 : f32
    %gt3A_274 = vector.broadcast %gt3A_273 : f32 to vector<128x2048xf32>
    %gt3A_275 = arith.cmpf ogt, %div3A_272, %gt3A_274 : vector<128x2048xf32>
    %gt3A_276 = vector.broadcast %iota3A : vector<1x2048xi32> to vector<128x2048xi32>
    %gt3A_277 = vector.broadcast %add3A_241 : vector<128x1xi32> to vector<128x2048xi32>
    %gt3A_278 = arith.cmpi sgt, %gt3A_276, %gt3A_277 : vector<128x2048xi32>
    %and3A_279 = arith.andi %gt3A_275, %gt3A_278 : vector<128x2048xi1>
    %convert_element_type3A_280 = arith.extui %and3A_279 : vector<128x2048xi1> to vector<128x2048xi32>
    %convert_element_type3A_281 = arith.sitofp %convert_element_type3A_280 : vector<128x2048xi32> to vector<128x2048xf32>
    %convert_element_type3A_282 = arith.truncf %convert_element_type3A_281 : vector<128x2048xf32> to vector<128x2048xbf16>
    %swap3A_283 = arith.constant 128 : index
    %swap3A_284 = arith.constant 0 : index
    %swap3A_285 = vector.load %arg7[%swap3A_283, %swap3A_284] : memref<2048x2048xbf16, #tpu.memory_space<vmem>>, vector<128x2048xbf16>
    tpu.vector_store %arg7[%swap3A_283, %swap3A_284], %convert_element_type3A_282 {strides = array<i32>} : memref<2048x2048xbf16, #tpu.memory_space<vmem>>, vector<128x2048xbf16>,
    %slice3A_286 = vector.extract_strided_slice %sub3A_160 {offsets = [256, 0], sizes = [128, 1], strides = [1, 1]} : vector<2048x1xf32> to vector<128x1xf32>
    %slice3A_287 = vector.extract_strided_slice %sub3A_164 {offsets = [256, 0], sizes = [128, 1], strides = [1, 1]} : vector<2048x1xf32> to vector<128x1xf32>
    %slice3A_288 = vector.extract_strided_slice %add3A_168 {offsets = [256, 0], sizes = [128, 1], strides = [1, 1]} : vector<2048x1xf32> to vector<128x1xf32>
    %slice3A_289 = vector.extract_strided_slice %add3A_172 {offsets = [256, 0], sizes = [128, 1], strides = [1, 1]} : vector<2048x1xf32> to vector<128x1xf32>
    %slice3A_290 = vector.extract_strided_slice %mul3A_183 {offsets = [256, 0], sizes = [128, 1], strides = [1, 1]} : vector<2048x1xf32> to vector<128x1xf32>
    %iota3A_291 = tpu.iota {dimensions = array<i32: 0>} : vector<128x1xi32>
    %add3A_292 = arith.constant 256 : i32
    %add3A_293 = vector.broadcast %add3A_292 : i32 to vector<128x1xi32>
    %add3A_294 = arith.addi %add3A_293, %iota3A_291 : vector<128x1xi32>
    %max3A_295 = vector.broadcast %slice3A_286 : vector<128x1xf32> to vector<128x2048xf32>
    %max3A_296 = vector.broadcast %sub3A_55 : vector<1x2048xf32> to vector<128x2048xf32>
    %max3A_297 = arith.maximumf %max3A_295, %max3A_296 : vector<128x2048xf32>
    %max3A_298 = vector.broadcast %slice3A_287 : vector<128x1xf32> to vector<128x2048xf32>
    %max3A_299 = vector.broadcast %sub3A_59 : vector<1x2048xf32> to vector<128x2048xf32>
    %max3A_300 = arith.maximumf %max3A_298, %max3A_299 : vector<128x2048xf32>
    %min3A_301 = vector.broadcast %slice3A_288 : vector<128x1xf32> to vector<128x2048xf32>
    %min3A_302 = vector.broadcast %add3A_63 : vector<1x2048xf32> to vector<128x2048xf32>
    %min3A_303 = arith.minimumf %min3A_301, %min3A_302 : vector<128x2048xf32>
    %min3A_304 = vector.broadcast %slice3A_289 : vector<128x1xf32> to vector<128x2048xf32>
    %min3A_305 = vector.broadcast %add3A_67 : vector<1x2048xf32> to vector<128x2048xf32>
    %min3A_306 = arith.minimumf %min3A_304, %min3A_305 : vector<128x2048xf32>
    %sub3A_307 = arith.subf %min3A_303, %max3A_297 : vector<128x2048xf32>
    %jit3A_308 = arith.constant 0 : i32
    %convert_element_type3A_309 = arith.sitofp %jit3A_308 : i32 to f32
    %max3A_310 = vector.broadcast %convert_element_type3A_309 : f32 to vector<128x2048xf32>
    %max3A_311 = arith.maximumf %max3A_310, %sub3A_307 : vector<128x2048xf32>
    %sub3A_312 = arith.subf %min3A_306, %max3A_300 : vector<128x2048xf32>
    %jit3A_313 = arith.constant 0 : i32
    %convert_element_type3A_314 = arith.sitofp %jit3A_313 : i32 to f32
    %max3A_315 = vector.broadcast %convert_element_type3A_314 : f32 to vector<128x2048xf32>
    %max3A_316 = arith.maximumf %max3A_315, %sub3A_312 : vector<128x2048xf32>
    %mul3A_317 = arith.mulf %max3A_311, %max3A_316 : vector<128x2048xf32>
    %add3A_318 = vector.broadcast %slice3A_290 : vector<128x1xf32> to vector<128x2048xf32>
    %add3A_319 = vector.broadcast %mul3A_75 : vector<1x2048xf32> to vector<128x2048xf32>
    %add3A_320 = arith.addf %add3A_318, %add3A_319 : vector<128x2048xf32>
    %sub3A_321 = arith.subf %add3A_320, %mul3A_317 : vector<128x2048xf32>
    %max3A_322 = arith.constant 9.99999971E-10 : f32
    %max3A_323 = vector.broadcast %max3A_322 : f32 to vector<128x2048xf32>
    %max3A_324 = arith.maximumf %sub3A_321, %max3A_323 : vector<128x2048xf32>
    %div3A_325 = arith.divf %mul3A_317, %max3A_324 : vector<128x2048xf32>
    %gt3A_326 = arith.constant 4.500000e-01 : f32
    %gt3A_327 = vector.broadcast %gt3A_326 : f32 to vector<128x2048xf32>
    %gt3A_328 = arith.cmpf ogt, %div3A_325, %gt3A_327 : vector<128x2048xf32>
    %gt3A_329 = vector.broadcast %iota3A : vector<1x2048xi32> to vector<128x2048xi32>
    %gt3A_330 = vector.broadcast %add3A_294 : vector<128x1xi32> to vector<128x2048xi32>
    %gt3A_331 = arith.cmpi sgt, %gt3A_329, %gt3A_330 : vector<128x2048xi32>
    %and3A_332 = arith.andi %gt3A_328, %gt3A_331 : vector<128x2048xi1>
    %convert_element_type3A_333 = arith.extui %and3A_332 : vector<128x2048xi1> to vector<128x2048xi32>
    %convert_element_type3A_334 = arith.sitofp %convert_element_type3A_333 : vector<128x2048xi32> to vector<128x2048xf32>
    %convert_element_type3A_335 = arith.truncf %convert_element_type3A_334 : vector<128x2048xf32> to vector<128x2048xbf16>
    %swap3A_336 = arith.constant 256 : index
    %swap3A_337 = arith.constant 0 : index
    %swap3A_338 = vector.load %arg7[%swap3A_336, %swap3A_337] : memref<2048x2048xbf16, #tpu.memory_space<vmem>>, vector<128x2048xbf16>
    tpu.vector_store %arg7[%swap3A_336, %swap3A_337], %convert_element_type3A_335 {strides = array<i32>} : memref<2048x2048xbf16, #tpu.memory_space<vmem>>, vector<128x2048xbf16>,
    %slice3A_339 = vector.extract_strided_slice %sub3A_160 {offsets = [384, 0], sizes = [128, 1], strides = [1, 1]} : vector<2048x1xf32> to vector<128x1xf32>
    %slice3A_340 = vector.extract_strided_slice %sub3A_164 {offsets = [384, 0], sizes = [128, 1], strides = [1, 1]} : vector<2048x1xf32> to vector<128x1xf32>
    %slice3A_341 = vector.extract_strided_slice %add3A_168 {offsets = [384, 0], sizes = [128, 1], strides = [1, 1]} : vector<2048x1xf32> to vector<128x1xf32>
    %slice3A_342 = vector.extract_strided_slice %add3A_172 {offsets = [384, 0], sizes = [128, 1], strides = [1, 1]} : vector<2048x1xf32> to vector<128x1xf32>
    %slice3A_343 = vector.extract_strided_slice %mul3A_183 {offsets = [384, 0], sizes = [128, 1], strides = [1, 1]} : vector<2048x1xf32> to vector<128x1xf32>
    %iota3A_344 = tpu.iota {dimensions = array<i32: 0>} : vector<128x1xi32>
    %add3A_345 = arith.constant 384 : i32
    %add3A_346 = vector.broadcast %add3A_345 : i32 to vector<128x1xi32>
    %add3A_347 = arith.addi %add3A_346, %iota3A_344 : vector<128x1xi32>
    %max3A_348 = vector.broadcast %slice3A_339 : vector<128x1xf32> to vector<128x2048xf32>
    %max3A_349 = vector.broadcast %sub3A_55 : vector<1x2048xf32> to vector<128x2048xf32>
    %max3A_350 = arith.maximumf %max3A_348, %max3A_349 : vector<128x2048xf32>
    %max3A_351 = vector.broadcast %slice3A_340 : vector<128x1xf32> to vector<128x2048xf32>
    %max3A_352 = vector.broadcast %sub3A_59 : vector<1x2048xf32> to vector<128x2048xf32>
    %max3A_353 = arith.maximumf %max3A_351, %max3A_352 : vector<128x2048xf32>
    %min3A_354 = vector.broadcast %slice3A_341 : vector<128x1xf32> to vector<128x2048xf32>
    %min3A_355 = vector.broadcast %add3A_63 : vector<1x2048xf32> to vector<128x2048xf32>
    %min3A_356 = arith.minimumf %min3A_354, %min3A_355 : vector<128x2048xf32>
    %min3A_357 = vector.broadcast %slice3A_342 : vector<128x1xf32> to vector<128x2048xf32>
    %min3A_358 = vector.broadcast %add3A_67 : vector<1x2048xf32> to vector<128x2048xf32>
    %min3A_359 = arith.minimumf %min3A_357, %min3A_358 : vector<128x2048xf32>
    %sub3A_360 = arith.subf %min3A_356, %max3A_350 : vector<128x2048xf32>
    %jit3A_361 = arith.constant 0 : i32
    %convert_element_type3A_362 = arith.sitofp %jit3A_361 : i32 to f32
    %max3A_363 = vector.broadcast %convert_element_type3A_362 : f32 to vector<128x2048xf32>
    %max3A_364 = arith.maximumf %max3A_363, %sub3A_360 : vector<128x2048xf32>
    %sub3A_365 = arith.subf %min3A_359, %max3A_353 : vector<128x2048xf32>
    %jit3A_366 = arith.constant 0 : i32
    %convert_element_type3A_367 = arith.sitofp %jit3A_366 : i32 to f32
    %max3A_368 = vector.broadcast %convert_element_type3A_367 : f32 to vector<128x2048xf32>
    %max3A_369 = arith.maximumf %max3A_368, %sub3A_365 : vector<128x2048xf32>
    %mul3A_370 = arith.mulf %max3A_364, %max3A_369 : vector<128x2048xf32>
    %add3A_371 = vector.broadcast %slice3A_343 : vector<128x1xf32> to vector<128x2048xf32>
    %add3A_372 = vector.broadcast %mul3A_75 : vector<1x2048xf32> to vector<128x2048xf32>
    %add3A_373 = arith.addf %add3A_371, %add3A_372 : vector<128x2048xf32>
    %sub3A_374 = arith.subf %add3A_373, %mul3A_370 : vector<128x2048xf32>
    %max3A_375 = arith.constant 9.99999971E-10 : f32
    %max3A_376 = vector.broadcast %max3A_375 : f32 to vector<128x2048xf32>
    %max3A_377 = arith.maximumf %sub3A_374, %max3A_376 : vector<128x2048xf32>
    %div3A_378 = arith.divf %mul3A_370, %max3A_377 : vector<128x2048xf32>
    %gt3A_379 = arith.constant 4.500000e-01 : f32
    %gt3A_380 = vector.broadcast %gt3A_379 : f32 to vector<128x2048xf32>
    %gt3A_381 = arith.cmpf ogt, %div3A_378, %gt3A_380 : vector<128x2048xf32>
    %gt3A_382 = vector.broadcast %iota3A : vector<1x2048xi32> to vector<128x2048xi32>
    %gt3A_383 = vector.broadcast %add3A_347 : vector<128x1xi32> to vector<128x2048xi32>
    %gt3A_384 = arith.cmpi sgt, %gt3A_382, %gt3A_383 : vector<128x2048xi32>
    %and3A_385 = arith.andi %gt3A_381, %gt3A_384 : vector<128x2048xi1>
    %convert_element_type3A_386 = arith.extui %and3A_385 : vector<128x2048xi1> to vector<128x2048xi32>
    %convert_element_type3A_387 = arith.sitofp %convert_element_type3A_386 : vector<128x2048xi32> to vector<128x2048xf32>
    %convert_element_type3A_388 = arith.truncf %convert_element_type3A_387 : vector<128x2048xf32> to vector<128x2048xbf16>
    %swap3A_389 = arith.constant 384 : index
    %swap3A_390 = arith.constant 0 : index
    %swap3A_391 = vector.load %arg7[%swap3A_389, %swap3A_390] : memref<2048x2048xbf16, #tpu.memory_space<vmem>>, vector<128x2048xbf16>
    tpu.vector_store %arg7[%swap3A_389, %swap3A_390], %convert_element_type3A_388 {strides = array<i32>} : memref<2048x2048xbf16, #tpu.memory_space<vmem>>, vector<128x2048xbf16>,
    %slice3A_392 = vector.extract_strided_slice %sub3A_160 {offsets = [512, 0], sizes = [128, 1], strides = [1, 1]} : vector<2048x1xf32> to vector<128x1xf32>
    %slice3A_393 = vector.extract_strided_slice %sub3A_164 {offsets = [512, 0], sizes = [128, 1], strides = [1, 1]} : vector<2048x1xf32> to vector<128x1xf32>
    %slice3A_394 = vector.extract_strided_slice %add3A_168 {offsets = [512, 0], sizes = [128, 1], strides = [1, 1]} : vector<2048x1xf32> to vector<128x1xf32>
    %slice3A_395 = vector.extract_strided_slice %add3A_172 {offsets = [512, 0], sizes = [128, 1], strides = [1, 1]} : vector<2048x1xf32> to vector<128x1xf32>
    %slice3A_396 = vector.extract_strided_slice %mul3A_183 {offsets = [512, 0], sizes = [128, 1], strides = [1, 1]} : vector<2048x1xf32> to vector<128x1xf32>
    %iota3A_397 = tpu.iota {dimensions = array<i32: 0>} : vector<128x1xi32>
    %add3A_398 = arith.constant 512 : i32
    %add3A_399 = vector.broadcast %add3A_398 : i32 to vector<128x1xi32>
    %add3A_400 = arith.addi %add3A_399, %iota3A_397 : vector<128x1xi32>
    %max3A_401 = vector.broadcast %slice3A_392 : vector<128x1xf32> to vector<128x2048xf32>
    %max3A_402 = vector.broadcast %sub3A_55 : vector<1x2048xf32> to vector<128x2048xf32>
    %max3A_403 = arith.maximumf %max3A_401, %max3A_402 : vector<128x2048xf32>
    %max3A_404 = vector.broadcast %slice3A_393 : vector<128x1xf32> to vector<128x2048xf32>
    %max3A_405 = vector.broadcast %sub3A_59 : vector<1x2048xf32> to vector<128x2048xf32>
    %max3A_406 = arith.maximumf %max3A_404, %max3A_405 : vector<128x2048xf32>
    %min3A_407 = vector.broadcast %slice3A_394 : vector<128x1xf32> to vector<128x2048xf32>
    %min3A_408 = vector.broadcast %add3A_63 : vector<1x2048xf32> to vector<128x2048xf32>
    %min3A_409 = arith.minimumf %min3A_407, %min3A_408 : vector<128x2048xf32>
    %min3A_410 = vector.broadcast %slice3A_395 : vector<128x1xf32> to vector<128x2048xf32>
    %min3A_411 = vector.broadcast %add3A_67 : vector<1x2048xf32> to vector<128x2048xf32>
    %min3A_412 = arith.minimumf %min3A_410, %min3A_411 : vector<128x2048xf32>
    %sub3A_413 = arith.subf %min3A_409, %max3A_403 : vector<128x2048xf32>
    %jit3A_414 = arith.constant 0 : i32
    %convert_element_type3A_415 = arith.sitofp %jit3A_414 : i32 to f32
    %max3A_416 = vector.broadcast %convert_element_type3A_415 : f32 to vector<128x2048xf32>
    %max3A_417 = arith.maximumf %max3A_416, %sub3A_413 : vector<128x2048xf32>
    %sub3A_418 = arith.subf %min3A_412, %max3A_406 : vector<128x2048xf32>
    %jit3A_419 = arith.constant 0 : i32
    %convert_element_type3A_420 = arith.sitofp %jit3A_419 : i32 to f32
    %max3A_421 = vector.broadcast %convert_element_type3A_420 : f32 to vector<128x2048xf32>
    %max3A_422 = arith.maximumf %max3A_421, %sub3A_418 : vector<128x2048xf32>
    %mul3A_423 = arith.mulf %max3A_417, %max3A_422 : vector<128x2048xf32>
    %add3A_424 = vector.broadcast %slice3A_396 : vector<128x1xf32> to vector<128x2048xf32>
    %add3A_425 = vector.broadcast %mul3A_75 : vector<1x2048xf32> to vector<128x2048xf32>
    %add3A_426 = arith.addf %add3A_424, %add3A_425 : vector<128x2048xf32>
    %sub3A_427 = arith.subf %add3A_426, %mul3A_423 : vector<128x2048xf32>
    %max3A_428 = arith.constant 9.99999971E-10 : f32
    %max3A_429 = vector.broadcast %max3A_428 : f32 to vector<128x2048xf32>
    %max3A_430 = arith.maximumf %sub3A_427, %max3A_429 : vector<128x2048xf32>
    %div3A_431 = arith.divf %mul3A_423, %max3A_430 : vector<128x2048xf32>
    %gt3A_432 = arith.constant 4.500000e-01 : f32
    %gt3A_433 = vector.broadcast %gt3A_432 : f32 to vector<128x2048xf32>
    %gt3A_434 = arith.cmpf ogt, %div3A_431, %gt3A_433 : vector<128x2048xf32>
    %gt3A_435 = vector.broadcast %iota3A : vector<1x2048xi32> to vector<128x2048xi32>
    %gt3A_436 = vector.broadcast %add3A_400 : vector<128x1xi32> to vector<128x2048xi32>
    %gt3A_437 = arith.cmpi sgt, %gt3A_435, %gt3A_436 : vector<128x2048xi32>
    %and3A_438 = arith.andi %gt3A_434, %gt3A_437 : vector<128x2048xi1>
    %convert_element_type3A_439 = arith.extui %and3A_438 : vector<128x2048xi1> to vector<128x2048xi32>
    %convert_element_type3A_440 = arith.sitofp %convert_element_type3A_439 : vector<128x2048xi32> to vector<128x2048xf32>
    %convert_element_type3A_441 = arith.truncf %convert_element_type3A_440 : vector<128x2048xf32> to vector<128x2048xbf16>
    %swap3A_442 = arith.constant 512 : index
    %swap3A_443 = arith.constant 0 : index
    %swap3A_444 = vector.load %arg7[%swap3A_442, %swap3A_443] : memref<2048x2048xbf16, #tpu.memory_space<vmem>>, vector<128x2048xbf16>
    tpu.vector_store %arg7[%swap3A_442, %swap3A_443], %convert_element_type3A_441 {strides = array<i32>} : memref<2048x2048xbf16, #tpu.memory_space<vmem>>, vector<128x2048xbf16>,
    %slice3A_445 = vector.extract_strided_slice %sub3A_160 {offsets = [640, 0], sizes = [128, 1], strides = [1, 1]} : vector<2048x1xf32> to vector<128x1xf32>
    %slice3A_446 = vector.extract_strided_slice %sub3A_164 {offsets = [640, 0], sizes = [128, 1], strides = [1, 1]} : vector<2048x1xf32> to vector<128x1xf32>
    %slice3A_447 = vector.extract_strided_slice %add3A_168 {offsets = [640, 0], sizes = [128, 1], strides = [1, 1]} : vector<2048x1xf32> to vector<128x1xf32>
    %slice3A_448 = vector.extract_strided_slice %add3A_172 {offsets = [640, 0], sizes = [128, 1], strides = [1, 1]} : vector<2048x1xf32> to vector<128x1xf32>
    %slice3A_449 = vector.extract_strided_slice %mul3A_183 {offsets = [640, 0], sizes = [128, 1], strides = [1, 1]} : vector<2048x1xf32> to vector<128x1xf32>
    %iota3A_450 = tpu.iota {dimensions = array<i32: 0>} : vector<128x1xi32>
    %add3A_451 = arith.constant 640 : i32
    %add3A_452 = vector.broadcast %add3A_451 : i32 to vector<128x1xi32>
    %add3A_453 = arith.addi %add3A_452, %iota3A_450 : vector<128x1xi32>
    %max3A_454 = vector.broadcast %slice3A_445 : vector<128x1xf32> to vector<128x2048xf32>
    %max3A_455 = vector.broadcast %sub3A_55 : vector<1x2048xf32> to vector<128x2048xf32>
    %max3A_456 = arith.maximumf %max3A_454, %max3A_455 : vector<128x2048xf32>
    %max3A_457 = vector.broadcast %slice3A_446 : vector<128x1xf32> to vector<128x2048xf32>
    %max3A_458 = vector.broadcast %sub3A_59 : vector<1x2048xf32> to vector<128x2048xf32>
    %max3A_459 = arith.maximumf %max3A_457, %max3A_458 : vector<128x2048xf32>
    %min3A_460 = vector.broadcast %slice3A_447 : vector<128x1xf32> to vector<128x2048xf32>
    %min3A_461 = vector.broadcast %add3A_63 : vector<1x2048xf32> to vector<128x2048xf32>
    %min3A_462 = arith.minimumf %min3A_460, %min3A_461 : vector<128x2048xf32>
    %min3A_463 = vector.broadcast %slice3A_448 : vector<128x1xf32> to vector<128x2048xf32>
    %min3A_464 = vector.broadcast %add3A_67 : vector<1x2048xf32> to vector<128x2048xf32>
    %min3A_465 = arith.minimumf %min3A_463, %min3A_464 : vector<128x2048xf32>
    %sub3A_466 = arith.subf %min3A_462, %max3A_456 : vector<128x2048xf32>
    %jit3A_467 = arith.constant 0 : i32
    %convert_element_type3A_468 = arith.sitofp %jit3A_467 : i32 to f32
    %max3A_469 = vector.broadcast %convert_element_type3A_468 : f32 to vector<128x2048xf32>
    %max3A_470 = arith.maximumf %max3A_469, %sub3A_466 : vector<128x2048xf32>
    %sub3A_471 = arith.subf %min3A_465, %max3A_459 : vector<128x2048xf32>
    %jit3A_472 = arith.constant 0 : i32
    %convert_element_type3A_473 = arith.sitofp %jit3A_472 : i32 to f32
    %max3A_474 = vector.broadcast %convert_element_type3A_473 : f32 to vector<128x2048xf32>
    %max3A_475 = arith.maximumf %max3A_474, %sub3A_471 : vector<128x2048xf32>
    %mul3A_476 = arith.mulf %max3A_470, %max3A_475 : vector<128x2048xf32>
    %add3A_477 = vector.broadcast %slice3A_449 : vector<128x1xf32> to vector<128x2048xf32>
    %add3A_478 = vector.broadcast %mul3A_75 : vector<1x2048xf32> to vector<128x2048xf32>
    %add3A_479 = arith.addf %add3A_477, %add3A_478 : vector<128x2048xf32>
    %sub3A_480 = arith.subf %add3A_479, %mul3A_476 : vector<128x2048xf32>
    %max3A_481 = arith.constant 9.99999971E-10 : f32
    %max3A_482 = vector.broadcast %max3A_481 : f32 to vector<128x2048xf32>
    %max3A_483 = arith.maximumf %sub3A_480, %max3A_482 : vector<128x2048xf32>
    %div3A_484 = arith.divf %mul3A_476, %max3A_483 : vector<128x2048xf32>
    %gt3A_485 = arith.constant 4.500000e-01 : f32
    %gt3A_486 = vector.broadcast %gt3A_485 : f32 to vector<128x2048xf32>
    %gt3A_487 = arith.cmpf ogt, %div3A_484, %gt3A_486 : vector<128x2048xf32>
    %gt3A_488 = vector.broadcast %iota3A : vector<1x2048xi32> to vector<128x2048xi32>
    %gt3A_489 = vector.broadcast %add3A_453 : vector<128x1xi32> to vector<128x2048xi32>
    %gt3A_490 = arith.cmpi sgt, %gt3A_488, %gt3A_489 : vector<128x2048xi32>
    %and3A_491 = arith.andi %gt3A_487, %gt3A_490 : vector<128x2048xi1>
    %convert_element_type3A_492 = arith.extui %and3A_491 : vector<128x2048xi1> to vector<128x2048xi32>
    %convert_element_type3A_493 = arith.sitofp %convert_element_type3A_492 : vector<128x2048xi32> to vector<128x2048xf32>
    %convert_element_type3A_494 = arith.truncf %convert_element_type3A_493 : vector<128x2048xf32> to vector<128x2048xbf16>
    %swap3A_495 = arith.constant 640 : index
    %swap3A_496 = arith.constant 0 : index
    %swap3A_497 = vector.load %arg7[%swap3A_495, %swap3A_496] : memref<2048x2048xbf16, #tpu.memory_space<vmem>>, vector<128x2048xbf16>
    tpu.vector_store %arg7[%swap3A_495, %swap3A_496], %convert_element_type3A_494 {strides = array<i32>} : memref<2048x2048xbf16, #tpu.memory_space<vmem>>, vector<128x2048xbf16>,
    %slice3A_498 = vector.extract_strided_slice %sub3A_160 {offsets = [768, 0], sizes = [128, 1], strides = [1, 1]} : vector<2048x1xf32> to vector<128x1xf32>
    %slice3A_499 = vector.extract_strided_slice %sub3A_164 {offsets = [768, 0], sizes = [128, 1], strides = [1, 1]} : vector<2048x1xf32> to vector<128x1xf32>
    %slice3A_500 = vector.extract_strided_slice %add3A_168 {offsets = [768, 0], sizes = [128, 1], strides = [1, 1]} : vector<2048x1xf32> to vector<128x1xf32>
    %slice3A_501 = vector.extract_strided_slice %add3A_172 {offsets = [768, 0], sizes = [128, 1], strides = [1, 1]} : vector<2048x1xf32> to vector<128x1xf32>
    %slice3A_502 = vector.extract_strided_slice %mul3A_183 {offsets = [768, 0], sizes = [128, 1], strides = [1, 1]} : vector<2048x1xf32> to vector<128x1xf32>
    %iota3A_503 = tpu.iota {dimensions = array<i32: 0>} : vector<128x1xi32>
    %add3A_504 = arith.constant 768 : i32
    %add3A_505 = vector.broadcast %add3A_504 : i32 to vector<128x1xi32>
    %add3A_506 = arith.addi %add3A_505, %iota3A_503 : vector<128x1xi32>
    %max3A_507 = vector.broadcast %slice3A_498 : vector<128x1xf32> to vector<128x2048xf32>
    %max3A_508 = vector.broadcast %sub3A_55 : vector<1x2048xf32> to vector<128x2048xf32>
    %max3A_509 = arith.maximumf %max3A_507, %max3A_508 : vector<128x2048xf32>
    %max3A_510 = vector.broadcast %slice3A_499 : vector<128x1xf32> to vector<128x2048xf32>
    %max3A_511 = vector.broadcast %sub3A_59 : vector<1x2048xf32> to vector<128x2048xf32>
    %max3A_512 = arith.maximumf %max3A_510, %max3A_511 : vector<128x2048xf32>
    %min3A_513 = vector.broadcast %slice3A_500 : vector<128x1xf32> to vector<128x2048xf32>
    %min3A_514 = vector.broadcast %add3A_63 : vector<1x2048xf32> to vector<128x2048xf32>
    %min3A_515 = arith.minimumf %min3A_513, %min3A_514 : vector<128x2048xf32>
    %min3A_516 = vector.broadcast %slice3A_501 : vector<128x1xf32> to vector<128x2048xf32>
    %min3A_517 = vector.broadcast %add3A_67 : vector<1x2048xf32> to vector<128x2048xf32>
    %min3A_518 = arith.minimumf %min3A_516, %min3A_517 : vector<128x2048xf32>
    %sub3A_519 = arith.subf %min3A_515, %max3A_509 : vector<128x2048xf32>
    %jit3A_520 = arith.constant 0 : i32
    %convert_element_type3A_521 = arith.sitofp %jit3A_520 : i32 to f32
    %max3A_522 = vector.broadcast %convert_element_type3A_521 : f32 to vector<128x2048xf32>
    %max3A_523 = arith.maximumf %max3A_522, %sub3A_519 : vector<128x2048xf32>
    %sub3A_524 = arith.subf %min3A_518, %max3A_512 : vector<128x2048xf32>
    %jit3A_525 = arith.constant 0 : i32
    %convert_element_type3A_526 = arith.sitofp %jit3A_525 : i32 to f32
    %max3A_527 = vector.broadcast %convert_element_type3A_526 : f32 to vector<128x2048xf32>
    %max3A_528 = arith.maximumf %max3A_527, %sub3A_524 : vector<128x2048xf32>
    %mul3A_529 = arith.mulf %max3A_523, %max3A_528 : vector<128x2048xf32>
    %add3A_530 = vector.broadcast %slice3A_502 : vector<128x1xf32> to vector<128x2048xf32>
    %add3A_531 = vector.broadcast %mul3A_75 : vector<1x2048xf32> to vector<128x2048xf32>
    %add3A_532 = arith.addf %add3A_530, %add3A_531 : vector<128x2048xf32>
    %sub3A_533 = arith.subf %add3A_532, %mul3A_529 : vector<128x2048xf32>
    %max3A_534 = arith.constant 9.99999971E-10 : f32
    %max3A_535 = vector.broadcast %max3A_534 : f32 to vector<128x2048xf32>
    %max3A_536 = arith.maximumf %sub3A_533, %max3A_535 : vector<128x2048xf32>
    %div3A_537 = arith.divf %mul3A_529, %max3A_536 : vector<128x2048xf32>
    %gt3A_538 = arith.constant 4.500000e-01 : f32
    %gt3A_539 = vector.broadcast %gt3A_538 : f32 to vector<128x2048xf32>
    %gt3A_540 = arith.cmpf ogt, %div3A_537, %gt3A_539 : vector<128x2048xf32>
    %gt3A_541 = vector.broadcast %iota3A : vector<1x2048xi32> to vector<128x2048xi32>
    %gt3A_542 = vector.broadcast %add3A_506 : vector<128x1xi32> to vector<128x2048xi32>
    %gt3A_543 = arith.cmpi sgt, %gt3A_541, %gt3A_542 : vector<128x2048xi32>
    %and3A_544 = arith.andi %gt3A_540, %gt3A_543 : vector<128x2048xi1>
    %convert_element_type3A_545 = arith.extui %and3A_544 : vector<128x2048xi1> to vector<128x2048xi32>
    %convert_element_type3A_546 = arith.sitofp %convert_element_type3A_545 : vector<128x2048xi32> to vector<128x2048xf32>
    %convert_element_type3A_547 = arith.truncf %convert_element_type3A_546 : vector<128x2048xf32> to vector<128x2048xbf16>
    %swap3A_548 = arith.constant 768 : index
    %swap3A_549 = arith.constant 0 : index
    %swap3A_550 = vector.load %arg7[%swap3A_548, %swap3A_549] : memref<2048x2048xbf16, #tpu.memory_space<vmem>>, vector<128x2048xbf16>
    tpu.vector_store %arg7[%swap3A_548, %swap3A_549], %convert_element_type3A_547 {strides = array<i32>} : memref<2048x2048xbf16, #tpu.memory_space<vmem>>, vector<128x2048xbf16>,
    %slice3A_551 = vector.extract_strided_slice %sub3A_160 {offsets = [896, 0], sizes = [128, 1], strides = [1, 1]} : vector<2048x1xf32> to vector<128x1xf32>
    %slice3A_552 = vector.extract_strided_slice %sub3A_164 {offsets = [896, 0], sizes = [128, 1], strides = [1, 1]} : vector<2048x1xf32> to vector<128x1xf32>
    %slice3A_553 = vector.extract_strided_slice %add3A_168 {offsets = [896, 0], sizes = [128, 1], strides = [1, 1]} : vector<2048x1xf32> to vector<128x1xf32>
    %slice3A_554 = vector.extract_strided_slice %add3A_172 {offsets = [896, 0], sizes = [128, 1], strides = [1, 1]} : vector<2048x1xf32> to vector<128x1xf32>
    %slice3A_555 = vector.extract_strided_slice %mul3A_183 {offsets = [896, 0], sizes = [128, 1], strides = [1, 1]} : vector<2048x1xf32> to vector<128x1xf32>
    %iota3A_556 = tpu.iota {dimensions = array<i32: 0>} : vector<128x1xi32>
    %add3A_557 = arith.constant 896 : i32
    %add3A_558 = vector.broadcast %add3A_557 : i32 to vector<128x1xi32>
    %add3A_559 = arith.addi %add3A_558, %iota3A_556 : vector<128x1xi32>
    %max3A_560 = vector.broadcast %slice3A_551 : vector<128x1xf32> to vector<128x2048xf32>
    %max3A_561 = vector.broadcast %sub3A_55 : vector<1x2048xf32> to vector<128x2048xf32>
    %max3A_562 = arith.maximumf %max3A_560, %max3A_561 : vector<128x2048xf32>
    %max3A_563 = vector.broadcast %slice3A_552 : vector<128x1xf32> to vector<128x2048xf32>
    %max3A_564 = vector.broadcast %sub3A_59 : vector<1x2048xf32> to vector<128x2048xf32>
    %max3A_565 = arith.maximumf %max3A_563, %max3A_564 : vector<128x2048xf32>
    %min3A_566 = vector.broadcast %slice3A_553 : vector<128x1xf32> to vector<128x2048xf32>
    %min3A_567 = vector.broadcast %add3A_63 : vector<1x2048xf32> to vector<128x2048xf32>
    %min3A_568 = arith.minimumf %min3A_566, %min3A_567 : vector<128x2048xf32>
    %min3A_569 = vector.broadcast %slice3A_554 : vector<128x1xf32> to vector<128x2048xf32>
    %min3A_570 = vector.broadcast %add3A_67 : vector<1x2048xf32> to vector<128x2048xf32>
    %min3A_571 = arith.minimumf %min3A_569, %min3A_570 : vector<128x2048xf32>
    %sub3A_572 = arith.subf %min3A_568, %max3A_562 : vector<128x2048xf32>
    %jit3A_573 = arith.constant 0 : i32
    %convert_element_type3A_574 = arith.sitofp %jit3A_573 : i32 to f32
    %max3A_575 = vector.broadcast %convert_element_type3A_574 : f32 to vector<128x2048xf32>
    %max3A_576 = arith.maximumf %max3A_575, %sub3A_572 : vector<128x2048xf32>
    %sub3A_577 = arith.subf %min3A_571, %max3A_565 : vector<128x2048xf32>
    %jit3A_578 = arith.constant 0 : i32
    %convert_element_type3A_579 = arith.sitofp %jit3A_578 : i32 to f32
    %max3A_580 = vector.broadcast %convert_element_type3A_579 : f32 to vector<128x2048xf32>
    %max3A_581 = arith.maximumf %max3A_580, %sub3A_577 : vector<128x2048xf32>
    %mul3A_582 = arith.mulf %max3A_576, %max3A_581 : vector<128x2048xf32>
    %add3A_583 = vector.broadcast %slice3A_555 : vector<128x1xf32> to vector<128x2048xf32>
    %add3A_584 = vector.broadcast %mul3A_75 : vector<1x2048xf32> to vector<128x2048xf32>
    %add3A_585 = arith.addf %add3A_583, %add3A_584 : vector<128x2048xf32>
    %sub3A_586 = arith.subf %add3A_585, %mul3A_582 : vector<128x2048xf32>
    %max3A_587 = arith.constant 9.99999971E-10 : f32
    %max3A_588 = vector.broadcast %max3A_587 : f32 to vector<128x2048xf32>
    %max3A_589 = arith.maximumf %sub3A_586, %max3A_588 : vector<128x2048xf32>
    %div3A_590 = arith.divf %mul3A_582, %max3A_589 : vector<128x2048xf32>
    %gt3A_591 = arith.constant 4.500000e-01 : f32
    %gt3A_592 = vector.broadcast %gt3A_591 : f32 to vector<128x2048xf32>
    %gt3A_593 = arith.cmpf ogt, %div3A_590, %gt3A_592 : vector<128x2048xf32>
    %gt3A_594 = vector.broadcast %iota3A : vector<1x2048xi32> to vector<128x2048xi32>
    %gt3A_595 = vector.broadcast %add3A_559 : vector<128x1xi32> to vector<128x2048xi32>
    %gt3A_596 = arith.cmpi sgt, %gt3A_594, %gt3A_595 : vector<128x2048xi32>
    %and3A_597 = arith.andi %gt3A_593, %gt3A_596 : vector<128x2048xi1>
    %convert_element_type3A_598 = arith.extui %and3A_597 : vector<128x2048xi1> to vector<128x2048xi32>
    %convert_element_type3A_599 = arith.sitofp %convert_element_type3A_598 : vector<128x2048xi32> to vector<128x2048xf32>
    %convert_element_type3A_600 = arith.truncf %convert_element_type3A_599 : vector<128x2048xf32> to vector<128x2048xbf16>
    %swap3A_601 = arith.constant 896 : index
    %swap3A_602 = arith.constant 0 : index
    %swap3A_603 = vector.load %arg7[%swap3A_601, %swap3A_602] : memref<2048x2048xbf16, #tpu.memory_space<vmem>>, vector<128x2048xbf16>
    tpu.vector_store %arg7[%swap3A_601, %swap3A_602], %convert_element_type3A_600 {strides = array<i32>} : memref<2048x2048xbf16, #tpu.memory_space<vmem>>, vector<128x2048xbf16>,
    %slice3A_604 = vector.extract_strided_slice %sub3A_160 {offsets = [1024, 0], sizes = [128, 1], strides = [1, 1]} : vector<2048x1xf32> to vector<128x1xf32>
    %slice3A_605 = vector.extract_strided_slice %sub3A_164 {offsets = [1024, 0], sizes = [128, 1], strides = [1, 1]} : vector<2048x1xf32> to vector<128x1xf32>
    %slice3A_606 = vector.extract_strided_slice %add3A_168 {offsets = [1024, 0], sizes = [128, 1], strides = [1, 1]} : vector<2048x1xf32> to vector<128x1xf32>
    %slice3A_607 = vector.extract_strided_slice %add3A_172 {offsets = [1024, 0], sizes = [128, 1], strides = [1, 1]} : vector<2048x1xf32> to vector<128x1xf32>
    %slice3A_608 = vector.extract_strided_slice %mul3A_183 {offsets = [1024, 0], sizes = [128, 1], strides = [1, 1]} : vector<2048x1xf32> to vector<128x1xf32>
    %iota3A_609 = tpu.iota {dimensions = array<i32: 0>} : vector<128x1xi32>
    %add3A_610 = arith.constant 1024 : i32
    %add3A_611 = vector.broadcast %add3A_610 : i32 to vector<128x1xi32>
    %add3A_612 = arith.addi %add3A_611, %iota3A_609 : vector<128x1xi32>
    %max3A_613 = vector.broadcast %slice3A_604 : vector<128x1xf32> to vector<128x2048xf32>
    %max3A_614 = vector.broadcast %sub3A_55 : vector<1x2048xf32> to vector<128x2048xf32>
    %max3A_615 = arith.maximumf %max3A_613, %max3A_614 : vector<128x2048xf32>
    %max3A_616 = vector.broadcast %slice3A_605 : vector<128x1xf32> to vector<128x2048xf32>
    %max3A_617 = vector.broadcast %sub3A_59 : vector<1x2048xf32> to vector<128x2048xf32>
    %max3A_618 = arith.maximumf %max3A_616, %max3A_617 : vector<128x2048xf32>
    %min3A_619 = vector.broadcast %slice3A_606 : vector<128x1xf32> to vector<128x2048xf32>
    %min3A_620 = vector.broadcast %add3A_63 : vector<1x2048xf32> to vector<128x2048xf32>
    %min3A_621 = arith.minimumf %min3A_619, %min3A_620 : vector<128x2048xf32>
    %min3A_622 = vector.broadcast %slice3A_607 : vector<128x1xf32> to vector<128x2048xf32>
    %min3A_623 = vector.broadcast %add3A_67 : vector<1x2048xf32> to vector<128x2048xf32>
    %min3A_624 = arith.minimumf %min3A_622, %min3A_623 : vector<128x2048xf32>
    %sub3A_625 = arith.subf %min3A_621, %max3A_615 : vector<128x2048xf32>
    %jit3A_626 = arith.constant 0 : i32
    %convert_element_type3A_627 = arith.sitofp %jit3A_626 : i32 to f32
    %max3A_628 = vector.broadcast %convert_element_type3A_627 : f32 to vector<128x2048xf32>
    %max3A_629 = arith.maximumf %max3A_628, %sub3A_625 : vector<128x2048xf32>
    %sub3A_630 = arith.subf %min3A_624, %max3A_618 : vector<128x2048xf32>
    %jit3A_631 = arith.constant 0 : i32
    %convert_element_type3A_632 = arith.sitofp %jit3A_631 : i32 to f32
    %max3A_633 = vector.broadcast %convert_element_type3A_632 : f32 to vector<128x2048xf32>
    %max3A_634 = arith.maximumf %max3A_633, %sub3A_630 : vector<128x2048xf32>
    %mul3A_635 = arith.mulf %max3A_629, %max3A_634 : vector<128x2048xf32>
    %add3A_636 = vector.broadcast %slice3A_608 : vector<128x1xf32> to vector<128x2048xf32>
    %add3A_637 = vector.broadcast %mul3A_75 : vector<1x2048xf32> to vector<128x2048xf32>
    %add3A_638 = arith.addf %add3A_636, %add3A_637 : vector<128x2048xf32>
    %sub3A_639 = arith.subf %add3A_638, %mul3A_635 : vector<128x2048xf32>
    %max3A_640 = arith.constant 9.99999971E-10 : f32
    %max3A_641 = vector.broadcast %max3A_640 : f32 to vector<128x2048xf32>
    %max3A_642 = arith.maximumf %sub3A_639, %max3A_641 : vector<128x2048xf32>
    %div3A_643 = arith.divf %mul3A_635, %max3A_642 : vector<128x2048xf32>
    %gt3A_644 = arith.constant 4.500000e-01 : f32
    %gt3A_645 = vector.broadcast %gt3A_644 : f32 to vector<128x2048xf32>
    %gt3A_646 = arith.cmpf ogt, %div3A_643, %gt3A_645 : vector<128x2048xf32>
    %gt3A_647 = vector.broadcast %iota3A : vector<1x2048xi32> to vector<128x2048xi32>
    %gt3A_648 = vector.broadcast %add3A_612 : vector<128x1xi32> to vector<128x2048xi32>
    %gt3A_649 = arith.cmpi sgt, %gt3A_647, %gt3A_648 : vector<128x2048xi32>
    %and3A_650 = arith.andi %gt3A_646, %gt3A_649 : vector<128x2048xi1>
    %convert_element_type3A_651 = arith.extui %and3A_650 : vector<128x2048xi1> to vector<128x2048xi32>
    %convert_element_type3A_652 = arith.sitofp %convert_element_type3A_651 : vector<128x2048xi32> to vector<128x2048xf32>
    %convert_element_type3A_653 = arith.truncf %convert_element_type3A_652 : vector<128x2048xf32> to vector<128x2048xbf16>
    %swap3A_654 = arith.constant 1024 : index
    %swap3A_655 = arith.constant 0 : index
    %swap3A_656 = vector.load %arg7[%swap3A_654, %swap3A_655] : memref<2048x2048xbf16, #tpu.memory_space<vmem>>, vector<128x2048xbf16>
    tpu.vector_store %arg7[%swap3A_654, %swap3A_655], %convert_element_type3A_653 {strides = array<i32>} : memref<2048x2048xbf16, #tpu.memory_space<vmem>>, vector<128x2048xbf16>,
    %slice3A_657 = vector.extract_strided_slice %sub3A_160 {offsets = [1152, 0], sizes = [128, 1], strides = [1, 1]} : vector<2048x1xf32> to vector<128x1xf32>
    %slice3A_658 = vector.extract_strided_slice %sub3A_164 {offsets = [1152, 0], sizes = [128, 1], strides = [1, 1]} : vector<2048x1xf32> to vector<128x1xf32>
    %slice3A_659 = vector.extract_strided_slice %add3A_168 {offsets = [1152, 0], sizes = [128, 1], strides = [1, 1]} : vector<2048x1xf32> to vector<128x1xf32>
    %slice3A_660 = vector.extract_strided_slice %add3A_172 {offsets = [1152, 0], sizes = [128, 1], strides = [1, 1]} : vector<2048x1xf32> to vector<128x1xf32>
    %slice3A_661 = vector.extract_strided_slice %mul3A_183 {offsets = [1152, 0], sizes = [128, 1], strides = [1, 1]} : vector<2048x1xf32> to vector<128x1xf32>
    %iota3A_662 = tpu.iota {dimensions = array<i32: 0>} : vector<128x1xi32>
    %add3A_663 = arith.constant 1152 : i32
    %add3A_664 = vector.broadcast %add3A_663 : i32 to vector<128x1xi32>
    %add3A_665 = arith.addi %add3A_664, %iota3A_662 : vector<128x1xi32>
    %max3A_666 = vector.broadcast %slice3A_657 : vector<128x1xf32> to vector<128x2048xf32>
    %max3A_667 = vector.broadcast %sub3A_55 : vector<1x2048xf32> to vector<128x2048xf32>
    %max3A_668 = arith.maximumf %max3A_666, %max3A_667 : vector<128x2048xf32>
    %max3A_669 = vector.broadcast %slice3A_658 : vector<128x1xf32> to vector<128x2048xf32>
    %max3A_670 = vector.broadcast %sub3A_59 : vector<1x2048xf32> to vector<128x2048xf32>
    %max3A_671 = arith.maximumf %max3A_669, %max3A_670 : vector<128x2048xf32>
    %min3A_672 = vector.broadcast %slice3A_659 : vector<128x1xf32> to vector<128x2048xf32>
    %min3A_673 = vector.broadcast %add3A_63 : vector<1x2048xf32> to vector<128x2048xf32>
    %min3A_674 = arith.minimumf %min3A_672, %min3A_673 : vector<128x2048xf32>
    %min3A_675 = vector.broadcast %slice3A_660 : vector<128x1xf32> to vector<128x2048xf32>
    %min3A_676 = vector.broadcast %add3A_67 : vector<1x2048xf32> to vector<128x2048xf32>
    %min3A_677 = arith.minimumf %min3A_675, %min3A_676 : vector<128x2048xf32>
    %sub3A_678 = arith.subf %min3A_674, %max3A_668 : vector<128x2048xf32>
    %jit3A_679 = arith.constant 0 : i32
    %convert_element_type3A_680 = arith.sitofp %jit3A_679 : i32 to f32
    %max3A_681 = vector.broadcast %convert_element_type3A_680 : f32 to vector<128x2048xf32>
    %max3A_682 = arith.maximumf %max3A_681, %sub3A_678 : vector<128x2048xf32>
    %sub3A_683 = arith.subf %min3A_677, %max3A_671 : vector<128x2048xf32>
    %jit3A_684 = arith.constant 0 : i32
    %convert_element_type3A_685 = arith.sitofp %jit3A_684 : i32 to f32
    %max3A_686 = vector.broadcast %convert_element_type3A_685 : f32 to vector<128x2048xf32>
    %max3A_687 = arith.maximumf %max3A_686, %sub3A_683 : vector<128x2048xf32>
    %mul3A_688 = arith.mulf %max3A_682, %max3A_687 : vector<128x2048xf32>
    %add3A_689 = vector.broadcast %slice3A_661 : vector<128x1xf32> to vector<128x2048xf32>
    %add3A_690 = vector.broadcast %mul3A_75 : vector<1x2048xf32> to vector<128x2048xf32>
    %add3A_691 = arith.addf %add3A_689, %add3A_690 : vector<128x2048xf32>
    %sub3A_692 = arith.subf %add3A_691, %mul3A_688 : vector<128x2048xf32>
    %max3A_693 = arith.constant 9.99999971E-10 : f32
    %max3A_694 = vector.broadcast %max3A_693 : f32 to vector<128x2048xf32>
    %max3A_695 = arith.maximumf %sub3A_692, %max3A_694 : vector<128x2048xf32>
    %div3A_696 = arith.divf %mul3A_688, %max3A_695 : vector<128x2048xf32>
    %gt3A_697 = arith.constant 4.500000e-01 : f32
    %gt3A_698 = vector.broadcast %gt3A_697 : f32 to vector<128x2048xf32>
    %gt3A_699 = arith.cmpf ogt, %div3A_696, %gt3A_698 : vector<128x2048xf32>
    %gt3A_700 = vector.broadcast %iota3A : vector<1x2048xi32> to vector<128x2048xi32>
    %gt3A_701 = vector.broadcast %add3A_665 : vector<128x1xi32> to vector<128x2048xi32>
    %gt3A_702 = arith.cmpi sgt, %gt3A_700, %gt3A_701 : vector<128x2048xi32>
    %and3A_703 = arith.andi %gt3A_699, %gt3A_702 : vector<128x2048xi1>
    %convert_element_type3A_704 = arith.extui %and3A_703 : vector<128x2048xi1> to vector<128x2048xi32>
    %convert_element_type3A_705 = arith.sitofp %convert_element_type3A_704 : vector<128x2048xi32> to vector<128x2048xf32>
    %convert_element_type3A_706 = arith.truncf %convert_element_type3A_705 : vector<128x2048xf32> to vector<128x2048xbf16>
    %swap3A_707 = arith.constant 1152 : index
    %swap3A_708 = arith.constant 0 : index
    %swap3A_709 = vector.load %arg7[%swap3A_707, %swap3A_708] : memref<2048x2048xbf16, #tpu.memory_space<vmem>>, vector<128x2048xbf16>
    tpu.vector_store %arg7[%swap3A_707, %swap3A_708], %convert_element_type3A_706 {strides = array<i32>} : memref<2048x2048xbf16, #tpu.memory_space<vmem>>, vector<128x2048xbf16>,
    %slice3A_710 = vector.extract_strided_slice %sub3A_160 {offsets = [1280, 0], sizes = [128, 1], strides = [1, 1]} : vector<2048x1xf32> to vector<128x1xf32>
    %slice3A_711 = vector.extract_strided_slice %sub3A_164 {offsets = [1280, 0], sizes = [128, 1], strides = [1, 1]} : vector<2048x1xf32> to vector<128x1xf32>
    %slice3A_712 = vector.extract_strided_slice %add3A_168 {offsets = [1280, 0], sizes = [128, 1], strides = [1, 1]} : vector<2048x1xf32> to vector<128x1xf32>
    %slice3A_713 = vector.extract_strided_slice %add3A_172 {offsets = [1280, 0], sizes = [128, 1], strides = [1, 1]} : vector<2048x1xf32> to vector<128x1xf32>
    %slice3A_714 = vector.extract_strided_slice %mul3A_183 {offsets = [1280, 0], sizes = [128, 1], strides = [1, 1]} : vector<2048x1xf32> to vector<128x1xf32>
    %iota3A_715 = tpu.iota {dimensions = array<i32: 0>} : vector<128x1xi32>
    %add3A_716 = arith.constant 1280 : i32
    %add3A_717 = vector.broadcast %add3A_716 : i32 to vector<128x1xi32>
    %add3A_718 = arith.addi %add3A_717, %iota3A_715 : vector<128x1xi32>
    %max3A_719 = vector.broadcast %slice3A_710 : vector<128x1xf32> to vector<128x2048xf32>
    %max3A_720 = vector.broadcast %sub3A_55 : vector<1x2048xf32> to vector<128x2048xf32>
    %max3A_721 = arith.maximumf %max3A_719, %max3A_720 : vector<128x2048xf32>
    %max3A_722 = vector.broadcast %slice3A_711 : vector<128x1xf32> to vector<128x2048xf32>
    %max3A_723 = vector.broadcast %sub3A_59 : vector<1x2048xf32> to vector<128x2048xf32>
    %max3A_724 = arith.maximumf %max3A_722, %max3A_723 : vector<128x2048xf32>
    %min3A_725 = vector.broadcast %slice3A_712 : vector<128x1xf32> to vector<128x2048xf32>
    %min3A_726 = vector.broadcast %add3A_63 : vector<1x2048xf32> to vector<128x2048xf32>
    %min3A_727 = arith.minimumf %min3A_725, %min3A_726 : vector<128x2048xf32>
    %min3A_728 = vector.broadcast %slice3A_713 : vector<128x1xf32> to vector<128x2048xf32>
    %min3A_729 = vector.broadcast %add3A_67 : vector<1x2048xf32> to vector<128x2048xf32>
    %min3A_730 = arith.minimumf %min3A_728, %min3A_729 : vector<128x2048xf32>
    %sub3A_731 = arith.subf %min3A_727, %max3A_721 : vector<128x2048xf32>
    %jit3A_732 = arith.constant 0 : i32
    %convert_element_type3A_733 = arith.sitofp %jit3A_732 : i32 to f32
    %max3A_734 = vector.broadcast %convert_element_type3A_733 : f32 to vector<128x2048xf32>
    %max3A_735 = arith.maximumf %max3A_734, %sub3A_731 : vector<128x2048xf32>
    %sub3A_736 = arith.subf %min3A_730, %max3A_724 : vector<128x2048xf32>
    %jit3A_737 = arith.constant 0 : i32
    %convert_element_type3A_738 = arith.sitofp %jit3A_737 : i32 to f32
    %max3A_739 = vector.broadcast %convert_element_type3A_738 : f32 to vector<128x2048xf32>
    %max3A_740 = arith.maximumf %max3A_739, %sub3A_736 : vector<128x2048xf32>
    %mul3A_741 = arith.mulf %max3A_735, %max3A_740 : vector<128x2048xf32>
    %add3A_742 = vector.broadcast %slice3A_714 : vector<128x1xf32> to vector<128x2048xf32>
    %add3A_743 = vector.broadcast %mul3A_75 : vector<1x2048xf32> to vector<128x2048xf32>
    %add3A_744 = arith.addf %add3A_742, %add3A_743 : vector<128x2048xf32>
    %sub3A_745 = arith.subf %add3A_744, %mul3A_741 : vector<128x2048xf32>
    %max3A_746 = arith.constant 9.99999971E-10 : f32
    %max3A_747 = vector.broadcast %max3A_746 : f32 to vector<128x2048xf32>
    %max3A_748 = arith.maximumf %sub3A_745, %max3A_747 : vector<128x2048xf32>
    %div3A_749 = arith.divf %mul3A_741, %max3A_748 : vector<128x2048xf32>
    %gt3A_750 = arith.constant 4.500000e-01 : f32
    %gt3A_751 = vector.broadcast %gt3A_750 : f32 to vector<128x2048xf32>
    %gt3A_752 = arith.cmpf ogt, %div3A_749, %gt3A_751 : vector<128x2048xf32>
    %gt3A_753 = vector.broadcast %iota3A : vector<1x2048xi32> to vector<128x2048xi32>
    %gt3A_754 = vector.broadcast %add3A_718 : vector<128x1xi32> to vector<128x2048xi32>
    %gt3A_755 = arith.cmpi sgt, %gt3A_753, %gt3A_754 : vector<128x2048xi32>
    %and3A_756 = arith.andi %gt3A_752, %gt3A_755 : vector<128x2048xi1>
    %convert_element_type3A_757 = arith.extui %and3A_756 : vector<128x2048xi1> to vector<128x2048xi32>
    %convert_element_type3A_758 = arith.sitofp %convert_element_type3A_757 : vector<128x2048xi32> to vector<128x2048xf32>
    %convert_element_type3A_759 = arith.truncf %convert_element_type3A_758 : vector<128x2048xf32> to vector<128x2048xbf16>
    %swap3A_760 = arith.constant 1280 : index
    %swap3A_761 = arith.constant 0 : index
    %swap3A_762 = vector.load %arg7[%swap3A_760, %swap3A_761] : memref<2048x2048xbf16, #tpu.memory_space<vmem>>, vector<128x2048xbf16>
    tpu.vector_store %arg7[%swap3A_760, %swap3A_761], %convert_element_type3A_759 {strides = array<i32>} : memref<2048x2048xbf16, #tpu.memory_space<vmem>>, vector<128x2048xbf16>,
    %slice3A_763 = vector.extract_strided_slice %sub3A_160 {offsets = [1408, 0], sizes = [128, 1], strides = [1, 1]} : vector<2048x1xf32> to vector<128x1xf32>
    %slice3A_764 = vector.extract_strided_slice %sub3A_164 {offsets = [1408, 0], sizes = [128, 1], strides = [1, 1]} : vector<2048x1xf32> to vector<128x1xf32>
    %slice3A_765 = vector.extract_strided_slice %add3A_168 {offsets = [1408, 0], sizes = [128, 1], strides = [1, 1]} : vector<2048x1xf32> to vector<128x1xf32>
    %slice3A_766 = vector.extract_strided_slice %add3A_172 {offsets = [1408, 0], sizes = [128, 1], strides = [1, 1]} : vector<2048x1xf32> to vector<128x1xf32>
    %slice3A_767 = vector.extract_strided_slice %mul3A_183 {offsets = [1408, 0], sizes = [128, 1], strides = [1, 1]} : vector<2048x1xf32> to vector<128x1xf32>
    %iota3A_768 = tpu.iota {dimensions = array<i32: 0>} : vector<128x1xi32>
    %add3A_769 = arith.constant 1408 : i32
    %add3A_770 = vector.broadcast %add3A_769 : i32 to vector<128x1xi32>
    %add3A_771 = arith.addi %add3A_770, %iota3A_768 : vector<128x1xi32>
    %max3A_772 = vector.broadcast %slice3A_763 : vector<128x1xf32> to vector<128x2048xf32>
    %max3A_773 = vector.broadcast %sub3A_55 : vector<1x2048xf32> to vector<128x2048xf32>
    %max3A_774 = arith.maximumf %max3A_772, %max3A_773 : vector<128x2048xf32>
    %max3A_775 = vector.broadcast %slice3A_764 : vector<128x1xf32> to vector<128x2048xf32>
    %max3A_776 = vector.broadcast %sub3A_59 : vector<1x2048xf32> to vector<128x2048xf32>
    %max3A_777 = arith.maximumf %max3A_775, %max3A_776 : vector<128x2048xf32>
    %min3A_778 = vector.broadcast %slice3A_765 : vector<128x1xf32> to vector<128x2048xf32>
    %min3A_779 = vector.broadcast %add3A_63 : vector<1x2048xf32> to vector<128x2048xf32>
    %min3A_780 = arith.minimumf %min3A_778, %min3A_779 : vector<128x2048xf32>
    %min3A_781 = vector.broadcast %slice3A_766 : vector<128x1xf32> to vector<128x2048xf32>
    %min3A_782 = vector.broadcast %add3A_67 : vector<1x2048xf32> to vector<128x2048xf32>
    %min3A_783 = arith.minimumf %min3A_781, %min3A_782 : vector<128x2048xf32>
    %sub3A_784 = arith.subf %min3A_780, %max3A_774 : vector<128x2048xf32>
    %jit3A_785 = arith.constant 0 : i32
    %convert_element_type3A_786 = arith.sitofp %jit3A_785 : i32 to f32
    %max3A_787 = vector.broadcast %convert_element_type3A_786 : f32 to vector<128x2048xf32>
    %max3A_788 = arith.maximumf %max3A_787, %sub3A_784 : vector<128x2048xf32>
    %sub3A_789 = arith.subf %min3A_783, %max3A_777 : vector<128x2048xf32>
    %jit3A_790 = arith.constant 0 : i32
    %convert_element_type3A_791 = arith.sitofp %jit3A_790 : i32 to f32
    %max3A_792 = vector.broadcast %convert_element_type3A_791 : f32 to vector<128x2048xf32>
    %max3A_793 = arith.maximumf %max3A_792, %sub3A_789 : vector<128x2048xf32>
    %mul3A_794 = arith.mulf %max3A_788, %max3A_793 : vector<128x2048xf32>
    %add3A_795 = vector.broadcast %slice3A_767 : vector<128x1xf32> to vector<128x2048xf32>
    %add3A_796 = vector.broadcast %mul3A_75 : vector<1x2048xf32> to vector<128x2048xf32>
    %add3A_797 = arith.addf %add3A_795, %add3A_796 : vector<128x2048xf32>
    %sub3A_798 = arith.subf %add3A_797, %mul3A_794 : vector<128x2048xf32>
    %max3A_799 = arith.constant 9.99999971E-10 : f32
    %max3A_800 = vector.broadcast %max3A_799 : f32 to vector<128x2048xf32>
    %max3A_801 = arith.maximumf %sub3A_798, %max3A_800 : vector<128x2048xf32>
    %div3A_802 = arith.divf %mul3A_794, %max3A_801 : vector<128x2048xf32>
    %gt3A_803 = arith.constant 4.500000e-01 : f32
    %gt3A_804 = vector.broadcast %gt3A_803 : f32 to vector<128x2048xf32>
    %gt3A_805 = arith.cmpf ogt, %div3A_802, %gt3A_804 : vector<128x2048xf32>
    %gt3A_806 = vector.broadcast %iota3A : vector<1x2048xi32> to vector<128x2048xi32>
    %gt3A_807 = vector.broadcast %add3A_771 : vector<128x1xi32> to vector<128x2048xi32>
    %gt3A_808 = arith.cmpi sgt, %gt3A_806, %gt3A_807 : vector<128x2048xi32>
    %and3A_809 = arith.andi %gt3A_805, %gt3A_808 : vector<128x2048xi1>
    %convert_element_type3A_810 = arith.extui %and3A_809 : vector<128x2048xi1> to vector<128x2048xi32>
    %convert_element_type3A_811 = arith.sitofp %convert_element_type3A_810 : vector<128x2048xi32> to vector<128x2048xf32>
    %convert_element_type3A_812 = arith.truncf %convert_element_type3A_811 : vector<128x2048xf32> to vector<128x2048xbf16>
    %swap3A_813 = arith.constant 1408 : index
    %swap3A_814 = arith.constant 0 : index
    %swap3A_815 = vector.load %arg7[%swap3A_813, %swap3A_814] : memref<2048x2048xbf16, #tpu.memory_space<vmem>>, vector<128x2048xbf16>
    tpu.vector_store %arg7[%swap3A_813, %swap3A_814], %convert_element_type3A_812 {strides = array<i32>} : memref<2048x2048xbf16, #tpu.memory_space<vmem>>, vector<128x2048xbf16>,
    %slice3A_816 = vector.extract_strided_slice %sub3A_160 {offsets = [1536, 0], sizes = [128, 1], strides = [1, 1]} : vector<2048x1xf32> to vector<128x1xf32>
    %slice3A_817 = vector.extract_strided_slice %sub3A_164 {offsets = [1536, 0], sizes = [128, 1], strides = [1, 1]} : vector<2048x1xf32> to vector<128x1xf32>
    %slice3A_818 = vector.extract_strided_slice %add3A_168 {offsets = [1536, 0], sizes = [128, 1], strides = [1, 1]} : vector<2048x1xf32> to vector<128x1xf32>
    %slice3A_819 = vector.extract_strided_slice %add3A_172 {offsets = [1536, 0], sizes = [128, 1], strides = [1, 1]} : vector<2048x1xf32> to vector<128x1xf32>
    %slice3A_820 = vector.extract_strided_slice %mul3A_183 {offsets = [1536, 0], sizes = [128, 1], strides = [1, 1]} : vector<2048x1xf32> to vector<128x1xf32>
    %iota3A_821 = tpu.iota {dimensions = array<i32: 0>} : vector<128x1xi32>
    %add3A_822 = arith.constant 1536 : i32
    %add3A_823 = vector.broadcast %add3A_822 : i32 to vector<128x1xi32>
    %add3A_824 = arith.addi %add3A_823, %iota3A_821 : vector<128x1xi32>
    %max3A_825 = vector.broadcast %slice3A_816 : vector<128x1xf32> to vector<128x2048xf32>
    %max3A_826 = vector.broadcast %sub3A_55 : vector<1x2048xf32> to vector<128x2048xf32>
    %max3A_827 = arith.maximumf %max3A_825, %max3A_826 : vector<128x2048xf32>
    %max3A_828 = vector.broadcast %slice3A_817 : vector<128x1xf32> to vector<128x2048xf32>
    %max3A_829 = vector.broadcast %sub3A_59 : vector<1x2048xf32> to vector<128x2048xf32>
    %max3A_830 = arith.maximumf %max3A_828, %max3A_829 : vector<128x2048xf32>
    %min3A_831 = vector.broadcast %slice3A_818 : vector<128x1xf32> to vector<128x2048xf32>
    %min3A_832 = vector.broadcast %add3A_63 : vector<1x2048xf32> to vector<128x2048xf32>
    %min3A_833 = arith.minimumf %min3A_831, %min3A_832 : vector<128x2048xf32>
    %min3A_834 = vector.broadcast %slice3A_819 : vector<128x1xf32> to vector<128x2048xf32>
    %min3A_835 = vector.broadcast %add3A_67 : vector<1x2048xf32> to vector<128x2048xf32>
    %min3A_836 = arith.minimumf %min3A_834, %min3A_835 : vector<128x2048xf32>
    %sub3A_837 = arith.subf %min3A_833, %max3A_827 : vector<128x2048xf32>
    %jit3A_838 = arith.constant 0 : i32
    %convert_element_type3A_839 = arith.sitofp %jit3A_838 : i32 to f32
    %max3A_840 = vector.broadcast %convert_element_type3A_839 : f32 to vector<128x2048xf32>
    %max3A_841 = arith.maximumf %max3A_840, %sub3A_837 : vector<128x2048xf32>
    %sub3A_842 = arith.subf %min3A_836, %max3A_830 : vector<128x2048xf32>
    %jit3A_843 = arith.constant 0 : i32
    %convert_element_type3A_844 = arith.sitofp %jit3A_843 : i32 to f32
    %max3A_845 = vector.broadcast %convert_element_type3A_844 : f32 to vector<128x2048xf32>
    %max3A_846 = arith.maximumf %max3A_845, %sub3A_842 : vector<128x2048xf32>
    %mul3A_847 = arith.mulf %max3A_841, %max3A_846 : vector<128x2048xf32>
    %add3A_848 = vector.broadcast %slice3A_820 : vector<128x1xf32> to vector<128x2048xf32>
    %add3A_849 = vector.broadcast %mul3A_75 : vector<1x2048xf32> to vector<128x2048xf32>
    %add3A_850 = arith.addf %add3A_848, %add3A_849 : vector<128x2048xf32>
    %sub3A_851 = arith.subf %add3A_850, %mul3A_847 : vector<128x2048xf32>
    %max3A_852 = arith.constant 9.99999971E-10 : f32
    %max3A_853 = vector.broadcast %max3A_852 : f32 to vector<128x2048xf32>
    %max3A_854 = arith.maximumf %sub3A_851, %max3A_853 : vector<128x2048xf32>
    %div3A_855 = arith.divf %mul3A_847, %max3A_854 : vector<128x2048xf32>
    %gt3A_856 = arith.constant 4.500000e-01 : f32
    %gt3A_857 = vector.broadcast %gt3A_856 : f32 to vector<128x2048xf32>
    %gt3A_858 = arith.cmpf ogt, %div3A_855, %gt3A_857 : vector<128x2048xf32>
    %gt3A_859 = vector.broadcast %iota3A : vector<1x2048xi32> to vector<128x2048xi32>
    %gt3A_860 = vector.broadcast %add3A_824 : vector<128x1xi32> to vector<128x2048xi32>
    %gt3A_861 = arith.cmpi sgt, %gt3A_859, %gt3A_860 : vector<128x2048xi32>
    %and3A_862 = arith.andi %gt3A_858, %gt3A_861 : vector<128x2048xi1>
    %convert_element_type3A_863 = arith.extui %and3A_862 : vector<128x2048xi1> to vector<128x2048xi32>
    %convert_element_type3A_864 = arith.sitofp %convert_element_type3A_863 : vector<128x2048xi32> to vector<128x2048xf32>
    %convert_element_type3A_865 = arith.truncf %convert_element_type3A_864 : vector<128x2048xf32> to vector<128x2048xbf16>
    %swap3A_866 = arith.constant 1536 : index
    %swap3A_867 = arith.constant 0 : index
    %swap3A_868 = vector.load %arg7[%swap3A_866, %swap3A_867] : memref<2048x2048xbf16, #tpu.memory_space<vmem>>, vector<128x2048xbf16>
    tpu.vector_store %arg7[%swap3A_866, %swap3A_867], %convert_element_type3A_865 {strides = array<i32>} : memref<2048x2048xbf16, #tpu.memory_space<vmem>>, vector<128x2048xbf16>,
    %slice3A_869 = vector.extract_strided_slice %sub3A_160 {offsets = [1664, 0], sizes = [128, 1], strides = [1, 1]} : vector<2048x1xf32> to vector<128x1xf32>
    %slice3A_870 = vector.extract_strided_slice %sub3A_164 {offsets = [1664, 0], sizes = [128, 1], strides = [1, 1]} : vector<2048x1xf32> to vector<128x1xf32>
    %slice3A_871 = vector.extract_strided_slice %add3A_168 {offsets = [1664, 0], sizes = [128, 1], strides = [1, 1]} : vector<2048x1xf32> to vector<128x1xf32>
    %slice3A_872 = vector.extract_strided_slice %add3A_172 {offsets = [1664, 0], sizes = [128, 1], strides = [1, 1]} : vector<2048x1xf32> to vector<128x1xf32>
    %slice3A_873 = vector.extract_strided_slice %mul3A_183 {offsets = [1664, 0], sizes = [128, 1], strides = [1, 1]} : vector<2048x1xf32> to vector<128x1xf32>
    %iota3A_874 = tpu.iota {dimensions = array<i32: 0>} : vector<128x1xi32>
    %add3A_875 = arith.constant 1664 : i32
    %add3A_876 = vector.broadcast %add3A_875 : i32 to vector<128x1xi32>
    %add3A_877 = arith.addi %add3A_876, %iota3A_874 : vector<128x1xi32>
    %max3A_878 = vector.broadcast %slice3A_869 : vector<128x1xf32> to vector<128x2048xf32>
    %max3A_879 = vector.broadcast %sub3A_55 : vector<1x2048xf32> to vector<128x2048xf32>
    %max3A_880 = arith.maximumf %max3A_878, %max3A_879 : vector<128x2048xf32>
    %max3A_881 = vector.broadcast %slice3A_870 : vector<128x1xf32> to vector<128x2048xf32>
    %max3A_882 = vector.broadcast %sub3A_59 : vector<1x2048xf32> to vector<128x2048xf32>
    %max3A_883 = arith.maximumf %max3A_881, %max3A_882 : vector<128x2048xf32>
    %min3A_884 = vector.broadcast %slice3A_871 : vector<128x1xf32> to vector<128x2048xf32>
    %min3A_885 = vector.broadcast %add3A_63 : vector<1x2048xf32> to vector<128x2048xf32>
    %min3A_886 = arith.minimumf %min3A_884, %min3A_885 : vector<128x2048xf32>
    %min3A_887 = vector.broadcast %slice3A_872 : vector<128x1xf32> to vector<128x2048xf32>
    %min3A_888 = vector.broadcast %add3A_67 : vector<1x2048xf32> to vector<128x2048xf32>
    %min3A_889 = arith.minimumf %min3A_887, %min3A_888 : vector<128x2048xf32>
    %sub3A_890 = arith.subf %min3A_886, %max3A_880 : vector<128x2048xf32>
    %jit3A_891 = arith.constant 0 : i32
    %convert_element_type3A_892 = arith.sitofp %jit3A_891 : i32 to f32
    %max3A_893 = vector.broadcast %convert_element_type3A_892 : f32 to vector<128x2048xf32>
    %max3A_894 = arith.maximumf %max3A_893, %sub3A_890 : vector<128x2048xf32>
    %sub3A_895 = arith.subf %min3A_889, %max3A_883 : vector<128x2048xf32>
    %jit3A_896 = arith.constant 0 : i32
    %convert_element_type3A_897 = arith.sitofp %jit3A_896 : i32 to f32
    %max3A_898 = vector.broadcast %convert_element_type3A_897 : f32 to vector<128x2048xf32>
    %max3A_899 = arith.maximumf %max3A_898, %sub3A_895 : vector<128x2048xf32>
    %mul3A_900 = arith.mulf %max3A_894, %max3A_899 : vector<128x2048xf32>
    %add3A_901 = vector.broadcast %slice3A_873 : vector<128x1xf32> to vector<128x2048xf32>
    %add3A_902 = vector.broadcast %mul3A_75 : vector<1x2048xf32> to vector<128x2048xf32>
    %add3A_903 = arith.addf %add3A_901, %add3A_902 : vector<128x2048xf32>
    %sub3A_904 = arith.subf %add3A_903, %mul3A_900 : vector<128x2048xf32>
    %max3A_905 = arith.constant 9.99999971E-10 : f32
    %max3A_906 = vector.broadcast %max3A_905 : f32 to vector<128x2048xf32>
    %max3A_907 = arith.maximumf %sub3A_904, %max3A_906 : vector<128x2048xf32>
    %div3A_908 = arith.divf %mul3A_900, %max3A_907 : vector<128x2048xf32>
    %gt3A_909 = arith.constant 4.500000e-01 : f32
    %gt3A_910 = vector.broadcast %gt3A_909 : f32 to vector<128x2048xf32>
    %gt3A_911 = arith.cmpf ogt, %div3A_908, %gt3A_910 : vector<128x2048xf32>
    %gt3A_912 = vector.broadcast %iota3A : vector<1x2048xi32> to vector<128x2048xi32>
    %gt3A_913 = vector.broadcast %add3A_877 : vector<128x1xi32> to vector<128x2048xi32>
    %gt3A_914 = arith.cmpi sgt, %gt3A_912, %gt3A_913 : vector<128x2048xi32>
    %and3A_915 = arith.andi %gt3A_911, %gt3A_914 : vector<128x2048xi1>
    %convert_element_type3A_916 = arith.extui %and3A_915 : vector<128x2048xi1> to vector<128x2048xi32>
    %convert_element_type3A_917 = arith.sitofp %convert_element_type3A_916 : vector<128x2048xi32> to vector<128x2048xf32>
    %convert_element_type3A_918 = arith.truncf %convert_element_type3A_917 : vector<128x2048xf32> to vector<128x2048xbf16>
    %swap3A_919 = arith.constant 1664 : index
    %swap3A_920 = arith.constant 0 : index
    %swap3A_921 = vector.load %arg7[%swap3A_919, %swap3A_920] : memref<2048x2048xbf16, #tpu.memory_space<vmem>>, vector<128x2048xbf16>
    tpu.vector_store %arg7[%swap3A_919, %swap3A_920], %convert_element_type3A_918 {strides = array<i32>} : memref<2048x2048xbf16, #tpu.memory_space<vmem>>, vector<128x2048xbf16>,
    %slice3A_922 = vector.extract_strided_slice %sub3A_160 {offsets = [1792, 0], sizes = [128, 1], strides = [1, 1]} : vector<2048x1xf32> to vector<128x1xf32>
    %slice3A_923 = vector.extract_strided_slice %sub3A_164 {offsets = [1792, 0], sizes = [128, 1], strides = [1, 1]} : vector<2048x1xf32> to vector<128x1xf32>
    %slice3A_924 = vector.extract_strided_slice %add3A_168 {offsets = [1792, 0], sizes = [128, 1], strides = [1, 1]} : vector<2048x1xf32> to vector<128x1xf32>
    %slice3A_925 = vector.extract_strided_slice %add3A_172 {offsets = [1792, 0], sizes = [128, 1], strides = [1, 1]} : vector<2048x1xf32> to vector<128x1xf32>
    %slice3A_926 = vector.extract_strided_slice %mul3A_183 {offsets = [1792, 0], sizes = [128, 1], strides = [1, 1]} : vector<2048x1xf32> to vector<128x1xf32>
    %iota3A_927 = tpu.iota {dimensions = array<i32: 0>} : vector<128x1xi32>
    %add3A_928 = arith.constant 1792 : i32
    %add3A_929 = vector.broadcast %add3A_928 : i32 to vector<128x1xi32>
    %add3A_930 = arith.addi %add3A_929, %iota3A_927 : vector<128x1xi32>
    %max3A_931 = vector.broadcast %slice3A_922 : vector<128x1xf32> to vector<128x2048xf32>
    %max3A_932 = vector.broadcast %sub3A_55 : vector<1x2048xf32> to vector<128x2048xf32>
    %max3A_933 = arith.maximumf %max3A_931, %max3A_932 : vector<128x2048xf32>
    %max3A_934 = vector.broadcast %slice3A_923 : vector<128x1xf32> to vector<128x2048xf32>
    %max3A_935 = vector.broadcast %sub3A_59 : vector<1x2048xf32> to vector<128x2048xf32>
    %max3A_936 = arith.maximumf %max3A_934, %max3A_935 : vector<128x2048xf32>
    %min3A_937 = vector.broadcast %slice3A_924 : vector<128x1xf32> to vector<128x2048xf32>
    %min3A_938 = vector.broadcast %add3A_63 : vector<1x2048xf32> to vector<128x2048xf32>
    %min3A_939 = arith.minimumf %min3A_937, %min3A_938 : vector<128x2048xf32>
    %min3A_940 = vector.broadcast %slice3A_925 : vector<128x1xf32> to vector<128x2048xf32>
    %min3A_941 = vector.broadcast %add3A_67 : vector<1x2048xf32> to vector<128x2048xf32>
    %min3A_942 = arith.minimumf %min3A_940, %min3A_941 : vector<128x2048xf32>
    %sub3A_943 = arith.subf %min3A_939, %max3A_933 : vector<128x2048xf32>
    %jit3A_944 = arith.constant 0 : i32
    %convert_element_type3A_945 = arith.sitofp %jit3A_944 : i32 to f32
    %max3A_946 = vector.broadcast %convert_element_type3A_945 : f32 to vector<128x2048xf32>
    %max3A_947 = arith.maximumf %max3A_946, %sub3A_943 : vector<128x2048xf32>
    %sub3A_948 = arith.subf %min3A_942, %max3A_936 : vector<128x2048xf32>
    %jit3A_949 = arith.constant 0 : i32
    %convert_element_type3A_950 = arith.sitofp %jit3A_949 : i32 to f32
    %max3A_951 = vector.broadcast %convert_element_type3A_950 : f32 to vector<128x2048xf32>
    %max3A_952 = arith.maximumf %max3A_951, %sub3A_948 : vector<128x2048xf32>
    %mul3A_953 = arith.mulf %max3A_947, %max3A_952 : vector<128x2048xf32>
    %add3A_954 = vector.broadcast %slice3A_926 : vector<128x1xf32> to vector<128x2048xf32>
    %add3A_955 = vector.broadcast %mul3A_75 : vector<1x2048xf32> to vector<128x2048xf32>
    %add3A_956 = arith.addf %add3A_954, %add3A_955 : vector<128x2048xf32>
    %sub3A_957 = arith.subf %add3A_956, %mul3A_953 : vector<128x2048xf32>
    %max3A_958 = arith.constant 9.99999971E-10 : f32
    %max3A_959 = vector.broadcast %max3A_958 : f32 to vector<128x2048xf32>
    %max3A_960 = arith.maximumf %sub3A_957, %max3A_959 : vector<128x2048xf32>
    %div3A_961 = arith.divf %mul3A_953, %max3A_960 : vector<128x2048xf32>
    %gt3A_962 = arith.constant 4.500000e-01 : f32
    %gt3A_963 = vector.broadcast %gt3A_962 : f32 to vector<128x2048xf32>
    %gt3A_964 = arith.cmpf ogt, %div3A_961, %gt3A_963 : vector<128x2048xf32>
    %gt3A_965 = vector.broadcast %iota3A : vector<1x2048xi32> to vector<128x2048xi32>
    %gt3A_966 = vector.broadcast %add3A_930 : vector<128x1xi32> to vector<128x2048xi32>
    %gt3A_967 = arith.cmpi sgt, %gt3A_965, %gt3A_966 : vector<128x2048xi32>
    %and3A_968 = arith.andi %gt3A_964, %gt3A_967 : vector<128x2048xi1>
    %convert_element_type3A_969 = arith.extui %and3A_968 : vector<128x2048xi1> to vector<128x2048xi32>
    %convert_element_type3A_970 = arith.sitofp %convert_element_type3A_969 : vector<128x2048xi32> to vector<128x2048xf32>
    %convert_element_type3A_971 = arith.truncf %convert_element_type3A_970 : vector<128x2048xf32> to vector<128x2048xbf16>
    %swap3A_972 = arith.constant 1792 : index
    %swap3A_973 = arith.constant 0 : index
    %swap3A_974 = vector.load %arg7[%swap3A_972, %swap3A_973] : memref<2048x2048xbf16, #tpu.memory_space<vmem>>, vector<128x2048xbf16>
    tpu.vector_store %arg7[%swap3A_972, %swap3A_973], %convert_element_type3A_971 {strides = array<i32>} : memref<2048x2048xbf16, #tpu.memory_space<vmem>>, vector<128x2048xbf16>,
    %slice3A_975 = vector.extract_strided_slice %sub3A_160 {offsets = [1920, 0], sizes = [128, 1], strides = [1, 1]} : vector<2048x1xf32> to vector<128x1xf32>
    %slice3A_976 = vector.extract_strided_slice %sub3A_164 {offsets = [1920, 0], sizes = [128, 1], strides = [1, 1]} : vector<2048x1xf32> to vector<128x1xf32>
    %slice3A_977 = vector.extract_strided_slice %add3A_168 {offsets = [1920, 0], sizes = [128, 1], strides = [1, 1]} : vector<2048x1xf32> to vector<128x1xf32>
    %slice3A_978 = vector.extract_strided_slice %add3A_172 {offsets = [1920, 0], sizes = [128, 1], strides = [1, 1]} : vector<2048x1xf32> to vector<128x1xf32>
    %slice3A_979 = vector.extract_strided_slice %mul3A_183 {offsets = [1920, 0], sizes = [128, 1], strides = [1, 1]} : vector<2048x1xf32> to vector<128x1xf32>
    %iota3A_980 = tpu.iota {dimensions = array<i32: 0>} : vector<128x1xi32>
    %add3A_981 = arith.constant 1920 : i32
    %add3A_982 = vector.broadcast %add3A_981 : i32 to vector<128x1xi32>
    %add3A_983 = arith.addi %add3A_982, %iota3A_980 : vector<128x1xi32>
    %max3A_984 = vector.broadcast %slice3A_975 : vector<128x1xf32> to vector<128x2048xf32>
    %max3A_985 = vector.broadcast %sub3A_55 : vector<1x2048xf32> to vector<128x2048xf32>
    %max3A_986 = arith.maximumf %max3A_984, %max3A_985 : vector<128x2048xf32>
    %max3A_987 = vector.broadcast %slice3A_976 : vector<128x1xf32> to vector<128x2048xf32>
    %max3A_988 = vector.broadcast %sub3A_59 : vector<1x2048xf32> to vector<128x2048xf32>
    %max3A_989 = arith.maximumf %max3A_987, %max3A_988 : vector<128x2048xf32>
    %min3A_990 = vector.broadcast %slice3A_977 : vector<128x1xf32> to vector<128x2048xf32>
    %min3A_991 = vector.broadcast %add3A_63 : vector<1x2048xf32> to vector<128x2048xf32>
    %min3A_992 = arith.minimumf %min3A_990, %min3A_991 : vector<128x2048xf32>
    %min3A_993 = vector.broadcast %slice3A_978 : vector<128x1xf32> to vector<128x2048xf32>
    %min3A_994 = vector.broadcast %add3A_67 : vector<1x2048xf32> to vector<128x2048xf32>
    %min3A_995 = arith.minimumf %min3A_993, %min3A_994 : vector<128x2048xf32>
    %sub3A_996 = arith.subf %min3A_992, %max3A_986 : vector<128x2048xf32>
    %jit3A_997 = arith.constant 0 : i32
    %convert_element_type3A_998 = arith.sitofp %jit3A_997 : i32 to f32
    %max3A_999 = vector.broadcast %convert_element_type3A_998 : f32 to vector<128x2048xf32>
    %max3A_1000 = arith.maximumf %max3A_999, %sub3A_996 : vector<128x2048xf32>
    %sub3A_1001 = arith.subf %min3A_995, %max3A_989 : vector<128x2048xf32>
    %jit3A_1002 = arith.constant 0 : i32
    %convert_element_type3A_1003 = arith.sitofp %jit3A_1002 : i32 to f32
    %max3A_1004 = vector.broadcast %convert_element_type3A_1003 : f32 to vector<128x2048xf32>
    %max3A_1005 = arith.maximumf %max3A_1004, %sub3A_1001 : vector<128x2048xf32>
    %mul3A_1006 = arith.mulf %max3A_1000, %max3A_1005 : vector<128x2048xf32>
    %add3A_1007 = vector.broadcast %slice3A_979 : vector<128x1xf32> to vector<128x2048xf32>
    %add3A_1008 = vector.broadcast %mul3A_75 : vector<1x2048xf32> to vector<128x2048xf32>
    %add3A_1009 = arith.addf %add3A_1007, %add3A_1008 : vector<128x2048xf32>
    %sub3A_1010 = arith.subf %add3A_1009, %mul3A_1006 : vector<128x2048xf32>
    %max3A_1011 = arith.constant 9.99999971E-10 : f32
    %max3A_1012 = vector.broadcast %max3A_1011 : f32 to vector<128x2048xf32>
    %max3A_1013 = arith.maximumf %sub3A_1010, %max3A_1012 : vector<128x2048xf32>
    %div3A_1014 = arith.divf %mul3A_1006, %max3A_1013 : vector<128x2048xf32>
    %gt3A_1015 = arith.constant 4.500000e-01 : f32
    %gt3A_1016 = vector.broadcast %gt3A_1015 : f32 to vector<128x2048xf32>
    %gt3A_1017 = arith.cmpf ogt, %div3A_1014, %gt3A_1016 : vector<128x2048xf32>
    %gt3A_1018 = vector.broadcast %iota3A : vector<1x2048xi32> to vector<128x2048xi32>
    %gt3A_1019 = vector.broadcast %add3A_983 : vector<128x1xi32> to vector<128x2048xi32>
    %gt3A_1020 = arith.cmpi sgt, %gt3A_1018, %gt3A_1019 : vector<128x2048xi32>
    %and3A_1021 = arith.andi %gt3A_1017, %gt3A_1020 : vector<128x2048xi1>
    %convert_element_type3A_1022 = arith.extui %and3A_1021 : vector<128x2048xi1> to vector<128x2048xi32>
    %convert_element_type3A_1023 = arith.sitofp %convert_element_type3A_1022 : vector<128x2048xi32> to vector<128x2048xf32>
    %convert_element_type3A_1024 = arith.truncf %convert_element_type3A_1023 : vector<128x2048xf32> to vector<128x2048xbf16>
    %swap3A_1025 = arith.constant 1920 : index
    %swap3A_1026 = arith.constant 0 : index
    %swap3A_1027 = vector.load %arg7[%swap3A_1025, %swap3A_1026] : memref<2048x2048xbf16, #tpu.memory_space<vmem>>, vector<128x2048xbf16>
    tpu.vector_store %arg7[%swap3A_1025, %swap3A_1026], %convert_element_type3A_1024 {strides = array<i32>} : memref<2048x2048xbf16, #tpu.memory_space<vmem>>, vector<128x2048xbf16>,
    %broadcast_in_dim3A = arith.constant 1.000000e+00 : f32
    %broadcast_in_dim3A_1028 = vector.broadcast %broadcast_in_dim3A : f32 to vector<16x2048xf32>
    %while3A = arith.constant true
    %while3A_1029:2 = scf.while (%while3A_1046 = %broadcast_in_dim3A_1028, %while3A_1047 = %while3A) : (vector<16x2048xf32>, i1) -> (vector<16x2048xf32>, i1) {
      scf.condition(%while3A_1047) %while3A_1046, %while3A_1047 : vector<16x2048xf32>, i1
    } do {
    ^bb0(%while3A_1046: vector<16x2048xf32>, %while3A_1047: i1):
      %convert_element_type3A_1048 = arith.truncf %while3A_1046 : vector<16x2048xf32> to vector<16x2048xbf16>
      %get3A_1049 = arith.constant 0 : index
      %get3A_1050 = arith.constant 0 : index
      %get3A_1051 = vector.load %arg7[%get3A_1049, %get3A_1050] : memref<2048x2048xbf16, #tpu.memory_space<vmem>>, vector<2048x2048xbf16>
      %dot_general3A = arith.constant dense<0.000000e+00> : vector<16x2048xf32>
      %dot_general3A_1052 = tpu.matmul %convert_element_type3A_1048, %get3A_1051, %dot_general3A {dimension_numbers = #tpu.dot_dimension_numbers<[1], [0], [0], [1], [0, 0, 1, 1], [], []>, transpose_lhs_hint = false} : vector<16x2048xbf16>, vector<2048x2048xbf16>, vector<16x2048xf32> -> vector<16x2048xf32>
      %lt3A = arith.constant 5.000000e-01 : f32
      %lt3A_1053 = vector.broadcast %lt3A : f32 to vector<16x2048xf32>
      %lt3A_1054 = arith.cmpf olt, %dot_general3A_1052, %lt3A_1053 : vector<16x2048xf32>
      %convert_element_type3A_1055 = arith.extui %lt3A_1054 : vector<16x2048xi1> to vector<16x2048xi32>
      %convert_element_type3A_1056 = arith.sitofp %convert_element_type3A_1055 : vector<16x2048xi32> to vector<16x2048xf32>
      %ne3A = arith.cmpf one, %convert_element_type3A_1056, %while3A_1046 : vector<16x2048xf32>
      %reduce_or3A = arith.constant 1.000000e+00 : f32
      %reduce_or3A_1057 = arith.constant 0.000000e+00 : f32
      %reduce_or3A_1058 = vector.broadcast %reduce_or3A : f32 to vector<16x2048xf32>
      %reduce_or3A_1059 = vector.broadcast %reduce_or3A_1057 : f32 to vector<16x2048xf32>
      %reduce_or3A_1060 = arith.select %ne3A, %reduce_or3A_1058, %reduce_or3A_1059 : vector<16x2048xi1>, vector<16x2048xf32>
      %reduce_or3A_1061 = vector.shape_cast %reduce_or3A_1060 : vector<16x2048xf32> to vector<1x16x2048xf32>
      %reduce_or3A_1062 = arith.constant dense<0xFF800000> : vector<1xf32>
      %reduce_or3A_1063 = vector.multi_reduction <maximumf>, %reduce_or3A_1061, %reduce_or3A_1062 [1, 2] : vector<1x16x2048xf32> to vector<1xf32>
      %reduce_or3A_1064 = vector.shape_cast %reduce_or3A_1063 : vector<1xf32> to vector<1x1x1xf32>
      %reduce_or3A_1065 = vector.extract %reduce_or3A_1064[0, 0, 0] : f32 from vector<1x1x1xf32>
      %reduce_or3A_1066 = arith.constant 0.000000e+00 : f32
      %reduce_or3A_1067 = arith.cmpf ogt, %reduce_or3A_1065, %reduce_or3A_1066 : f32
      scf.yield %convert_element_type3A_1056, %reduce_or3A_1067 : vector<16x2048xf32>, i1
    }
    %slice3A_1030 = vector.extract_strided_slice %while3A_1029#0 {offsets = [0, 0], sizes = [1, 2048], strides = [1, 1]} : vector<16x2048xf32> to vector<1x2048xf32>
    %get3A_1031 = arith.constant 0 : index
    %get3A_1032 = arith.constant 0 : index
    %get3A_1033 = vector.load %arg4[%get3A_1031, %get3A_1032] : memref<1x2048xf32, #tpu.memory_space<vmem>>, vector<1x2048xf32>
    %gt3A_1034 = arith.constant 5.000000e-01 : f32
    %gt3A_1035 = vector.broadcast %gt3A_1034 : f32 to vector<1x2048xf32>
    %gt3A_1036 = arith.cmpf ogt, %slice3A_1030, %gt3A_1035 : vector<1x2048xf32>
    %gt3A_1037 = arith.constant 3.000000e-01 : f32
    %gt3A_1038 = vector.broadcast %gt3A_1037 : f32 to vector<1x2048xf32>
    %gt3A_1039 = arith.cmpf ogt, %get3A_1033, %gt3A_1038 : vector<1x2048xf32>
    %and3A_1040 = arith.andi %gt3A_1036, %gt3A_1039 : vector<1x2048xi1>
    %jit3A_1041 = arith.constant -1.000000e+09 : f32
    %broadcast_in_dim3A_1042 = vector.broadcast %jit3A_1041 : f32 to vector<1x2048xf32>
    %select_n3A = arith.select %and3A_1040, %get3A_1033, %broadcast_in_dim3A_1042 : vector<1x2048xi1>, vector<1x2048xf32>
    %swap3A_1043 = arith.constant 0 : index
    %swap3A_1044 = arith.constant 0 : index
    %swap3A_1045 = vector.load %arg6[%swap3A_1043, %swap3A_1044] : memref<1x2048xf32, #tpu.memory_space<vmem>>, vector<1x2048xf32>
    tpu.vector_store %arg6[%swap3A_1043, %swap3A_1044], %select_n3A {strides = array<i32>} : memref<1x2048xf32, #tpu.memory_space<vmem>>, vector<1x2048xf32>,
    return
  }
}

</mosaic_0001>

<sc_bundles>
// kernel: gather_offload_async_start.1
scs
__scs_entry_jumppad:
0x0: {  	(pc) =	sbr.rel $0x88, $3  }
0x1: {  	(tag) =	ssettag $0x0;
	lr =	simm.s32 $0x1  }
0x2: {  	[smem:$0x3F9E] =	sst lr;
	_ =	strace $0xD0000000  }
0x3: {  	_ = 	snop  }
0x4: {  	_ = 	snop  }
0x5: {  	_ = 	snop  }
0x6: {  	_ = 	snop  }
0x7: {  	_ = 	snop  }
__scs_overlays_trampoline_lowered:
0x8: {  	[smem:$0x3FAD] =	sst s0  }
0x9: {  	[smem:$0x3FAE] =	sst s1  }
0xa: {  	[smem:$0x3FAF] =	sst s2  }
0xb: {  	[smem:$0x3FB0] =	sst s3  }
0xc: {  	[smem:$0x3FB1] =	sst s4  }
0xd: {  	[smem:$0x3FB2] =	sst s5  }
0xe: {  	[smem:$0x3FB3] =	sst s6  }
0xf: {  	[smem:$0x3FB4] =	sst s7  }
0x10: {  	[smem:$0x3FB5] =	sst s8  }
0x11: {  	[smem:$0x3FB6] =	sst s9;
	s0 =	simm.s32 @!p0 $0x0  }
0x12: {  	s1 =	sld [smem:$0x3F9C];
	s0 =	simm.s32 @p0 $0x1  }
0x13: {  	[smem:$0x3FB7] =	sst s0;
	s0 =	simm.s32 @!p1 $0x0  }
0x14: {  	s2 =	sld [smem:$0x3F9B];
	s0 =	simm.s32 @p1 $0x1  }
0x15: {  	[smem:$0x3FB8] =	sst s0;
	s0 =	simm.s32 @!p2 $0x0  }
0x16: {  	s3 =	sld [smem:$0x3FDB];
	s0 =	simm.s32 @p2 $0x1  }
0x17: {  	s4 =	simm.s32 $0x1BF5;
	[smem:$0x3FBA] =	sst s0  }
0x18: {  	s0 =	sld [smem:$0x3F9D];
	_ =	swait.ge [sflag:s4], $0x0  }
0x19: {  	s7 =	sld [smem:$0x3F9E]  }
0x1a: {  	s8 =	sadd.s32 $0xFFFFE003, lr  }
0x1b: {  	s9 =	sadd.s32 $0xFFFFFEF7, lr;
	s5 =	simm.s32 $0xFFFFFFFF;
	p2 =	slt.u32 s8, $0xFFFFF086  }
0x1c: {  	p1 =	slt.u32 s9, $0xF7A;
	s5 =	simm.s32 @!p2 $0x0  }
0x1d: {  	s5 =	simm.s32 @p1 $0x1;
	p0 =	seq.s32 s7, s2  }
0x1e: {  	s7 =	smul.u32 @!p0 $0xF7A, s2;
	p2 =	seq.s32 @!p0 s5, $0x0  }
0x1f: {  	s9 =	smul.u32 $0xF7A, s1;
	s8 =	simm.s32 @!p0 $0x1BF5;
	p2 =	por !p2, p0  }
0x20: {  	[sflag:s8] =	ssyncset.s32 @!p0 $0xFFFFF086;
	s6 =	sadd.s32 @!p0 s3, s7;
	s7 =	simm.s32 @!p0 $0x108  }
0x21: {  	s3 =	sadd.s32 s3, s9;
	s6 =	sadd.s32 @!p0 $0x88, s6;
	s7 =	simm.s32 @p2 $0x1082  }
0x22: {  	[simem:s7], [sflag:s8] =	dma.local @!p0 [hbm:s6], $0xF7A  }
0x23: {  	s9 =	sor.u32 $0xD0000000, s2;
	s6 =	simm.s32 $0x108;
	_ =	swait.ge @!p0 [sflag:s8], $0x0  }
0x24: {  	s3 =	sadd.s32 $0x88, s3;
	s6 =	simm.s32 @!p1 $0x1082;
	[sflag:s4] =	ssyncset.s32 $0xFFFFF086  }
0x25: {  	[simem:s6], [sflag:s4] =	dma.local [hbm:s3], $0xF7A  }
0x26: {  	[smem:$0x3F9E] =	sst s1;
	(tag) =	ssettag s2;
	_ =	strace s9  }
0x27: {  	s1 =	sld [smem:$0x3FAE]  }
0x28: {  	s2 =	sld [smem:$0x3FAF]  }
0x29: {  	s4 =	sld [smem:$0x3FB1]  }
0x2a: {  	p0 =	seq.s32 s5, $0x0;
	s5 =	sld [smem:$0x3FB2]  }
0x2b: {  	s6 =	sld [smem:$0x3FB3]  }
0x2c: {  	s7 =	sld [smem:$0x3FB4]  }
0x2d: {  	s3 =	simm.s32 $0x108;
	s8 =	sld [smem:$0x3FB5]  }
0x2e: {  	s3 =	simm.s32 @!p0 $0x1082;
	s9 =	sld [smem:$0x3FB6]  }
0x2f: {  	lr =	sadd.s32 s0, s3;
	s0 =	sld [smem:$0x3FAD]  }
0x30: {  	s3 =	sld [smem:$0x3FB0]  }
0x31: {  	[smem:$0x3FB9] =	sst s10  }
0x32: {  	s10 =	sld [smem:$0x3FB7];
	_ =	sdelay $0x3  }
0x33: {  	p0 =	seq.s32 s10, $0x1;
	s10 =	sld [smem:$0x3FB9];
	_ =	sdelay $0x3  }
0x34: {  	[smem:$0x3FB9] =	sst s10  }
0x35: {  	s10 =	sld [smem:$0x3FB8];
	_ =	sdelay $0x3  }
0x36: {  	p1 =	seq.s32 s10, $0x1;
	s10 =	sld [smem:$0x3FB9];
	_ =	sdelay $0x3  }
0x37: {  	[smem:$0x3FB9] =	sst s10  }
0x38: {  	s10 =	sld [smem:$0x3FBA]  }
0x39: {  	_ = 	snop;
	(pc) =	sbr.ind lr, $3  }
0x3a: {  	_ = 	snop  }
0x3b: {  	_ = 	snop  }
0x3c: {  	p2 =	seq.s32 s10, $0x1;
	s10 =	sld [smem:$0x3FB9]  }
0x3d: {  	_ =	shalt  }
0x3e: {  	_ =	shalt  }
0x3f: {  	_ =	shalt  }
0x40: {  	_ =	shalt  }
0x41: {  	_ =	shalt  }
0x42: {  	_ =	shalt  }
0x43: {  	_ =	shalt  }
0x44: {  	_ =	shalt  }
0x45: {  	_ =	shalt  }
0x46: {  	_ =	shalt  }
0x47: {  	_ =	shalt  }
0x48: {  	_ =	shalt  }
0x49: {  	_ =	shalt  }
0x4a: {  	_ =	shalt  }
0x4b: {  	_ =	shalt  }
0x4c: {  	_ =	shalt  }
0x4d: {  	_ =	shalt  }
0x4e: {  	_ =	shalt  }
0x4f: {  	_ =	shalt  }
0x50: {  	_ =	shalt  }
0x51: {  	_ =	shalt  }
0x52: {  	_ =	shalt  }
0x53: {  	_ =	shalt  }
0x54: {  	_ =	shalt  }
0x55: {  	_ =	shalt  }
0x56: {  	_ =	shalt  }
0x57: {  	_ =	shalt  }
0x58: {  	_ =	shalt  }
0x59: {  	_ =	shalt  }
0x5a: {  	_ =	shalt  }
0x5b: {  	_ =	shalt  }
0x5c: {  	_ =	shalt  }
0x5d: {  	_ =	shalt  }
0x5e: {  	_ =	shalt  }
0x5f: {  	_ =	shalt  }
0x60: {  	_ =	shalt  }
0x61: {  	_ =	shalt  }
0x62: {  	_ =	shalt  }
0x63: {  	_ =	shalt  }
0x64: {  	_ =	shalt  }
0x65: {  	_ =	shalt  }
0x66: {  	_ =	shalt  }
0x67: {  	_ =	shalt  }
0x68: {  	_ =	shalt  }
0x69: {  	_ =	shalt  }
0x6a: {  	_ =	shalt  }
0x6b: {  	_ =	shalt  }
0x6c: {  	_ =	shalt  }
0x6d: {  	_ =	shalt  }
0x6e: {  	_ =	shalt  }
0x6f: {  	_ =	shalt  }
0x70: {  	_ =	shalt  }
0x71: {  	_ =	shalt  }
0x72: {  	_ =	shalt  }
0x73: {  	_ =	shalt  }
0x74: {  	_ =	shalt  }
0x75: {  	_ =	shalt  }
0x76: {  	_ =	shalt  }
0x77: {  	_ =	shalt  }
0x78: {  	_ =	shalt  }
0x79: {  	_ =	shalt  }
0x7a: {  	_ =	shalt  }
0x7b: {  	_ =	shalt  }
0x7c: {  	_ =	shalt  }
0x7d: {  	_ =	shalt  }
0x7e: {  	_ =	shalt  }
0x7f: {  	_ =	shalt  }
0x80: {  	_ =	shalt  }
0x81: {  	_ =	shalt  }
0x82: {  	_ =	shalt  }
0x83: {  	_ =	shalt  }
0x84: {  	_ =	shalt  }
0x85: {  	_ =	shalt  }
0x86: {  	_ =	shalt  }
0x87: {  	_ =	shalt  }
.Lfunc_end0:
.L_simem_size_0:
called_computation.1_lowered:
.L_overlay_start_0:
0x88: {  	s0 =	sld [smem:$0x3FD9]  }
0x89: {  	s1 =	sld [smem:$0x3FFE];
	_ =	sdelay $0x3  }
0x8a: {  	s0 =	sadd.s32 s1, s0  }
0x8b: {  	[smem:$0x3FC5] =	sst s0  }
0x8c: {  	_ = 	snop  }
0x8d: {  	(tm) =	ssettm $0x1  }
0x8e: {  	s15 =	sld [smem:$0x3FFB];
	_ =	sdelay $0x3  }
0x8f: {  	_ =	strace s15  }
0x90: {  	s0 =	sld [smem:$0x3FFC];
	_ =	sdelay $0x3  }
0x91: {  	_ =	strace s0  }
0x92: {  	s0 =	sld [smem:$0x3FFD];
	_ =	sdelay $0x3  }
0x93: {  	_ =	strace s0  }
0x94: {  	_ =	strace $0x8FFFFFFF  }
0x95: {  	s16 =	sld [smem:$0x3FDB];
	_ =	sdelay $0x1  }
0x96: {  	s17 =	simm.s32 $_scs_section_size  }
0x97: {  	s2 =	simm.s32 $_size__tile_overlayer_lowered;
	s3 =	simm.s32 $_tile_overlayer_lowered  }
0x98: {  	s20 =	simm.s32 $0x1BFF;
	s19 =	sshll.u32 s3, $0x1;
	s0 =	sadd.s32 s17, s16  }
0x99: {  	s4 =	simm.s32 $0x0;
	s18 =	sshll.u32 s2, $0x1;
	s2 =	sadd.s32 s19, s0  }
0x9a: {  	[timem:s4], [sflag:s20] =	dma.local [hbm:s2], s18  }
0x9b: {  	_ =	swait.ge [sflag:s20], s18  }
0x9c: {  	s1 =	ssub.s32 $0x0, s18;
	[sflag:s20] =	ssyncset.done $0x0  }
0x9d: {  	[sflag:s20] =	ssyncadd.s32 s1;
	_ =	sdelay $0x1  }
0x9e: {  	s21 =	simm.s32 $0x1B8B  }
0x9f: {  	_ =	swait.ge [sflag:s21], $0x1  }
0xa0: {  	[sflag:s21] =	ssyncset.done $0x0  }
0xa1: {  	s23 =	simm.s32 $0x1B8E;
	s22 =	sld [smem:$0x3FFE];
	[sflag:s21] =	ssyncadd.s32 $0xFFFFFFFF  }
0xa2: {  	s24 =	simm.s32 $execute0_lowered;
	[smem:$0x3FD2] =	sst s23  }
0xa3: {  	s2 =	sshll.u32 s24, $0x1;
	_ =	strace $0x80000049;
	[dreg:$0x1] =	wrdreg $0xFFFFFFFF  }
0xa4: {  	s25 =	simm.s32 $_size_execute0_lowered;
	s0 =	sadd.s32 s0, s2;
	[dreg:$0x0] =	wrdreg $0x0  }
0xa5: {  	s2 =	sshll.u32 s25, $0x1;
	[dreg:$0x2] =	wrdreg s0  }
0xa6: {  	[dreg:$0x3] =	wrdreg s2  }
0xa7: {  	[dreg:$0x4] =	wrdreg $0xC0  }
0xa8: {  	_ =	task [dreg:s4], $0x5FFFF  }
0xa9: {  	[dreg:$0x1] =	wrdreg $0xFFFFFFFF  }
0xaa: {  	[dreg:$0x0] =	wrdreg $0x60  }
0xab: {  	[dreg:$0x2] =	wrdreg s22  }
0xac: {  	[dreg:$0x3] =	wrdreg $0xA  }
0xad: {  	_ =	task.clear_ibuf [dreg:s4], $0x4FFFF;
	_ =	strace $0x90000049  }
0xae: {  	s26 =	simm.s32 $0xA;
	_ =	strace $0x8000004B  }
0xaf: {  	_ =	swait.ge [sflag:s26], $0x1  }
0xb0: {  	[sflag:s26] =	ssyncadd.s32 $0xFFFFFFFF  }
0xb1: {  	_ =	strace $0x9000004B  }
0xb2: {  	_ =	sfence  }
0xb3: {  	s28 =	sld [smem:$0x0];
	_ =	sdelay $0x1  }
0xb4: {  	s29 =	srdreg.scid  }
0xb5: {  	s30 =	sshll.u32 s29, $0xD;
	s31 =	sshrl.u32 s29, $0x2  }
0xb6: {  	s1 =	sand.u32 $0x1, s29;
	s2 =	sand.u32 $0x4000, s30;
	s0 =	sadd.s32 s31, s28  }
0xb7: {  	s1 =	sor.u32 s2, s1;
	s0 =	sshll.u32 s0, $0x11  }
0xb8: {  	s0 =	sor.u32 s0, s1  }
0xb9: {  	s0 =	sadd.s32 $0x8F2B, s0  }
0xba: {  	[sflag:s0] =	ssyncadd.remote.s32 $0x1  }
0xbb: {  	_ =	sfence.sel $0xFFFF  }
0xbc: {  	[dreg:$0x0] =	wrdreg $0xFFFFFFFF;
	(pc) =	sbr.abs _section_cstart, $3  }
0xbd: {  	[dreg:$0x1] =	wrdreg $0xFFFFFFFF  }
0xbe: {  	_ =	task.clear_ibuf [dreg:s4], $0x2FFFF;
	_ =	strace $0x9FFFFFFF  }
0xbf: {  	(tm) =	ssettm $0x7FFFFFFF  }
tec
execute0_lowered:
.L_overlay_start_1:
0x0: {  	(tag) =	ssettag $0x1  }
0x1: {  	s0 =	stileid.u32  }
0x2: {  	s1 =	smin.u32 s0, $0x9  }
0x3: {  	s1 =	sadd.s32 s0, s1  }
0x4: {  	p0 =	slt.u32 s0, $0x9;
	s2 =	smul.u32 $0x50, s1;
	s1 =	simm.s32 $0xA0  }
0x5: {  	s1 =	simm.s32 @!p0 $0x50  }
0x6: {  	s1 =	sadd.s32 s1, s2  }
0x7: {  	s3 =	smin.u32 s1, $0x7D0  }
0x8: {  	s7 =	ssub.s32 s3, s2  }
0x9: {  	p0 =	sgt.s32 s7, $0x0  }
0xa: {  	s7 =	simm.s32 @!p0 $0x0  }
0xb: {  	s31 =	smul.u32 $0xCCCD, s7  }
0xc: {  	s4 =	rddreg [dreg:$0x0];
	s6 =	simm.s32 $0x1  }
0xd: {  	s10 =	simm.s32 $0x3;
	s13 =	simm.s32 $0x0;
	s8 =	sshrl.u32 s31, $0x16  }
0xe: {  	s12 =	simm.s32 $0x0;
	s5 =	sadd.s32 $0x56E00, s4;
	s9 =	smul.u32 $0x50, s8  }
.Ltmp0:
0xf: {  	s11 =	smov.u32 s2;
	s1 =	rddreg [dreg:$0x1];
	(pc) =	sbr.rel .LBB2_1-.Ltmp0, $4  }
0x10: {  	_ =	strace $0x8000004A;
	p0 =	sne.s32 s7, s9;
	s9 =	simm.s32 $0x1  }
0x11: {  	[sflag:s6] =	ssyncpa.u1 $0x0;
	s7 =	simm.s32 $0x2;
	s9 =	simm.s32 @!p0 $0x0  }
0x12: {  	[sflag:s7] =	ssyncpa.u1 $0x0;
	p0 =	por $0x0, $0x0;
	s8 =	sadd.s32 s8, s9  }
0x13: {  	vm0 =	vmmov $0xff;
	vm1 =	vcmask $0x3F20;
	s9 =	sadd.s32 $0xA5C00, s4;
	[sflag:s10] =	ssyncpa.u1 $0x0;
	s10 =	sadd.s32 $0x1, s8  }
.LBB2_6:
0x14: {  	[hbm:s17] =	stream.linear.scatter [tilespmem:s14], [sflag:$0x3], $0x400, $0x38;
	[tilespmem:$0x50A0] =	vst v63  }
.LBB2_7:
0x15: {  	s13 =	sadd.s32 $0x50, s11  }
0x16: {  	s15 =	smov.u32 s2;
	p2 =	slt.s32 s13, s3  }
0x17: {  	s15 =	smov.u32 @p2 s13;
	p2 =	sne.s32 s12, s10  }
.Ltmp1:
0x18: {  	p1 =	slt.u32 s12, $0x2;
	(pc) =	sbr.rel @!p2 .LBB2_8-.Ltmp1, $4  }
0x19: {  	s14 =	simm.s32 @!p1 $0x3  }
0x1a: {  	s16 =	sadd.s32 $0x1, s12;
	_ =	swait.ge @!p1 [sflag:s14], $0x2800  }
0x1b: {  	p0 =	por !p0, !p0;
	s13 =	smov.u32 s11;
	[sflag:s14] =	ssyncset.done @!p1 $0x0  }
0x1c: {  	s12 =	smov.u32 s16;
	s11 =	smov.u32 s15;
	[sflag:s14] =	ssyncadd.s32 @!p1 $0xFFFFD800  }
.LBB2_1:
0x1d: {  	p1 =	sge.u32 s12, s8  }
0x1e: {  	s14 =	sxor.u32 @!p1 $0xFFFFFFFF, s12  }
0x1f: {  	s14 =	sand.u32 @!p1 $0x1, s14  }
0x20: {  	s14 =	smul.u32 @!p1 $0x140, s14  }
0x21: {  	s31 =	sadd.s32 $0xFFFFFFFF, s12;
	s15 =	sshrl.u32 @!p1 s11, $0x3  }
0x22: {  	s16 =	sand.u32 @!p1 $0x7, s11;
	s15 =	sadd.s32 @!p1 s4, s15;
	s14 =	sshrl.u32 @!p1 s14, $0x2  }
0x23: {  	[tilespmem:s14], [sflag:$0x2] =	stream.linear.gather @!p1 [hbm4b:s15+s16], $0x50, $0x38;
	[tilespmem:$0x50A0] =	vst v63  }
0x24: {  	p1 =	sge.u32 s31, s8  }
.Ltmp2:
0x25: {  	_ = 	snop;
	(pc) =	sbr.rel @p1 .LBB2_7-.Ltmp2, $1  }
0x26: {  	_ =	sdelay $0x3  }
0x27: {  	s14 =	simm.s32 $0x1  }
0x28: {  	s14 =	simm.s32 @!p0 $0x0  }
0x29: {  	s15 =	smul.u32 $0x140, s14  }
0x2a: {  	_ =	swait.ge [sflag:s7], $0x50  }
0x2b: {  	[sflag:s7] =	ssyncset.done $0x0;
	s16 =	sshrl.u32 s15, $0x2  }
0x2c: {  	[sflag:s7] =	ssyncadd.s32 $0xFFFFFFB0;
	s15 =	sadd.s32 $0x0, s16  }
0x2d: {  	v0 =	vld.msk [tilespmem:s15+$0x0 ss:$0x1], $0xffff;
	_ =	sdelay $0x4  }
0x2e: {  	vm2 =	vgt.s32 v0, $0x0  }
0x2f: {  	v0 =	vnsel vm2, $0x0, v0  }
0x30: {  	v0 =	vmin.u32 v0, $0x4ECB  }
0x31: {  	v0 =	vshll.u32 v0, $0x4  }
0x32: {  	s14 =	smul.u32 $0xA000, s14;
	_ =	sdelay $0x1  }
0x33: {  	s14 =	sshrl.u32 s14, $0x2  }
0x34: {  	s14 =	sor.u32 $0xA0, s14  }
0x35: {  	[tilespmem:s14], [sflag:$0x1] =	stream.indirect_vreg.gather [hbm:s5], $0x80, v0, vm0, $0x38;
	[tilespmem:$0x50A0] =	vst v63  }
0x36: {  	s17 =	sadd.s32 $0x10, s16;
	s15 =	sadd.s32 $0x400, s14  }
0x37: {  	[tilespmem:s15], [sflag:$0x1] =	stream.indirect_vreg.gather [hbm:s5], $0x80, v0, vm1, $0x38;
	[tilespmem:$0x50A0] =	vst v63  }
0x38: {  	s18 =	simm.s32 $0x80;
	v0 =	vld.msk [tilespmem:s17+$0x0 ss:$0x1], $0xffff;
	s17 =	smov.u32 s14  }
.LBB2_3:
0x39: {  	p1 =	sne.s32 s18, $0x100;
	_ =	sdelay $0x4  }
0x3a: {  	vm2 =	vgt.s32 v0, $0x0  }
0x3b: {  	v0 =	vnsel vm2, $0x0, v0  }
0x3c: {  	v0 =	vmin.u32 v0, $0x4ECB  }
0x3d: {  	v0 =	vshll.u32 v0, $0x4;
	_ =	sdelay $0x3  }
.Ltmp3:
0x3e: {  	s19 =	sshra.s32 s18, $0x2;
	s17 =	sadd.s32 $0x800, s17;
	(pc) =	sbr.rel @p1 .LBB2_3-.Ltmp3, $4  }
0x3f: {  	[tilespmem:s17], [sflag:$0x1] =	stream.indirect_vreg.gather [hbm:s5], $0x80, v0, vm0, $0x38;
	[tilespmem:$0x50A0] =	vst v63  }
0x40: {  	s19 =	sadd.s32 s19, s16;
	s20 =	sadd.s32 $0x400, s17  }
0x41: {  	[tilespmem:s20], [sflag:$0x1] =	stream.indirect_vreg.gather [hbm:s5], $0x80, v0, vm1, $0x38;
	[tilespmem:$0x50A0] =	vst v63  }
0x42: {  	s18 =	sadd.s32 $0x40, s18;
	v0 =	vld.msk [tilespmem:s19+$0x0 ss:$0x1], $0xffff  }
0x43: {  	_ =	sdelay $0x3  }
0x44: {  	vm2 =	vgt.s32 v0, $0x0  }
0x45: {  	v0 =	vnsel vm2, $0x0, v0  }
0x46: {  	v0 =	vmin.u32 v0, $0x4ECB  }
0x47: {  	v0 =	vshll.u32 v0, $0x4;
	_ =	sdelay $0x3  }
0x48: {  	s16 =	sadd.s32 $0x800, s17  }
0x49: {  	[tilespmem:s16], [sflag:$0x1] =	stream.indirect_vreg.gather [hbm:s5], $0x80, v0, vm0, $0x38;
	[tilespmem:$0x50A0] =	vst v63  }
0x4a: {  	s16 =	sadd.s32 $0x400, s16  }
0x4b: {  	[tilespmem:s16], [sflag:$0x1] =	stream.indirect_vreg.gather [hbm:s5], $0x80, v0, vm1, $0x38;
	[tilespmem:$0x50A0] =	vst v63  }
0x4c: {  	s13 =	sshll.u32 s13, $0x4;
	_ =	swait.ge [sflag:s6], $0x2800  }
0x4d: {  	s13 =	sadd.s32 s13, s9;
	[sflag:s6] =	ssyncset.done $0x0  }
0x4e: {  	s17 =	sadd.s32 $0x0, s13;
	s16 =	simm.s32 $0x80;
	[sflag:s6] =	ssyncadd.s32 $0xFFFFD800  }
.LBB2_5:
0x4f: {  	[hbm:s17] =	stream.linear.scatter [tilespmem:s14], [sflag:$0x3], $0x400, $0x38;
	[tilespmem:$0x50A0] =	vst v63  }
0x50: {  	s17 =	smov.u32 s16;
	s14 =	smov.u32 s15;
	p1 =	sne.s32 s16, $0x480  }
.Ltmp4:
0x51: {  	s16 =	sadd.s32 $0x80, s16;
	(pc) =	sbr.rel @p1 .LBB2_5-.Ltmp4, $2  }
0x52: {  	_ =	sdelay $0x2  }
0x53: {  	s15 =	sadd.s32 $0x400, s15;
	s17 =	sadd.s32 s17, s13  }
.Ltmp5:
0x54: {  	_ = 	snop;
	(pc) =	sbr.rel .LBB2_6-.Ltmp5, $1  }
0x55: {  	_ =	sdelay $0x3  }
.LBB2_8:
0x56: {  	_ =	sfence.sel $0x180000  }
0x57: {  	s2 =	simm.s32 $0x2;
	[bflag:$0x0] =	sbarrier.arrive $0xFFFF  }
0x58: {  	s30 =	simm.s32 $0x3;
	[sflag:s2] =	ssyncpa.u1 $0x1  }
0x59: {  	s31 =	simm.s32 $0x1;
	[sflag:s30] =	ssyncpa.u1 $0x1  }
0x5a: {  	[sflag:s31] =	ssyncpa.u1 $0x1  }
0x5b: {  	p0 =	sne.s32 s0, $0x0;
	_ =	strace $0x9000004A  }
0x5c: {  	s0 =	sadd.s32 @!p0 $0x100000, s1;
	[bflag:$0x2] =	sbarrier.arrive $0xFFFF  }
0x5d: {  	[sflag:s0] =	ssyncadd.tile.s32 @!p0 $0x1;
	_ =	shalt  }
.Lfunc_end2:
_tile_overlayer_lowered:
.L_overlay_start_2:
0x5e: {  	(tag) =	ssettag $0x2  }
0x5f: {  	s0 =	rddreg [dreg:$0x0];
	s2 =	stileid.u32  }
0x60: {  	s1 =	rddreg [dreg:$0x1];
	p0 =	sne.s32 s2, $0x0  }
0x61: {  	s3 =	rddreg [dreg:$0x2];
	[bflag:$0x3] =	sbarrier.arrive $0xFFFF;
	s2 =	simm.s32 @!p0 $0x1C01  }
0x62: {  	[timem:s3], [sflag:s2] =	dma.local @!p0 [hbm:s0], s1  }
0x63: {  	s0 =	simm.s32 @!p0 $0x1  }
0x64: {  	_ =	swait.ge @!p0 [sflag:s0], s1  }
0x65: {  	s1 =	ssub.s32 @!p0 $0x0, s1;
	[sflag:s0] =	ssyncset.done @!p0 $0x0  }
0x66: {  	[sflag:s0] =	ssyncadd.s32 @!p0 s1  }
0x67: {  	[bflag:$0x3] =	sbarrier.arrive $0xFFFF  }
0x68: {  	_ =	shalt  }

// kernel: gather_offload_async_start
scs
__scs_entry_jumppad:
0x0: {  	(pc) =	sbr.rel $0x88, $3  }
0x1: {  	(tag) =	ssettag $0x0;
	lr =	simm.s32 $0x1  }
0x2: {  	[smem:$0x3F9E] =	sst lr;
	_ =	strace $0xD0000000  }
0x3: {  	_ = 	snop  }
0x4: {  	_ = 	snop  }
0x5: {  	_ = 	snop  }
0x6: {  	_ = 	snop  }
0x7: {  	_ = 	snop  }
__scs_overlays_trampoline_lowered:
0x8: {  	[smem:$0x3FAD] =	sst s0  }
0x9: {  	[smem:$0x3FAE] =	sst s1  }
0xa: {  	[smem:$0x3FAF] =	sst s2  }
0xb: {  	[smem:$0x3FB0] =	sst s3  }
0xc: {  	[smem:$0x3FB1] =	sst s4  }
0xd: {  	[smem:$0x3FB2] =	sst s5  }
0xe: {  	[smem:$0x3FB3] =	sst s6  }
0xf: {  	[smem:$0x3FB4] =	sst s7  }
0x10: {  	[smem:$0x3FB5] =	sst s8  }
0x11: {  	[smem:$0x3FB6] =	sst s9;
	s0 =	simm.s32 @!p0 $0x0  }
0x12: {  	s1 =	sld [smem:$0x3F9C];
	s0 =	simm.s32 @p0 $0x1  }
0x13: {  	[smem:$0x3FB7] =	sst s0;
	s0 =	simm.s32 @!p1 $0x0  }
0x14: {  	s2 =	sld [smem:$0x3F9B];
	s0 =	simm.s32 @p1 $0x1  }
0x15: {  	[smem:$0x3FB8] =	sst s0;
	s0 =	simm.s32 @!p2 $0x0  }
0x16: {  	s3 =	sld [smem:$0x3FDB];
	s0 =	simm.s32 @p2 $0x1  }
0x17: {  	s4 =	simm.s32 $0x1BF5;
	[smem:$0x3FBA] =	sst s0  }
0x18: {  	s0 =	sld [smem:$0x3F9D];
	_ =	swait.ge [sflag:s4], $0x0  }
0x19: {  	s7 =	sld [smem:$0x3F9E]  }
0x1a: {  	s8 =	sadd.s32 $0xFFFFE003, lr  }
0x1b: {  	s9 =	sadd.s32 $0xFFFFFEF7, lr;
	s5 =	simm.s32 $0xFFFFFFFF;
	p2 =	slt.u32 s8, $0xFFFFF086  }
0x1c: {  	p1 =	slt.u32 s9, $0xF7A;
	s5 =	simm.s32 @!p2 $0x0  }
0x1d: {  	s5 =	simm.s32 @p1 $0x1;
	p0 =	seq.s32 s7, s2  }
0x1e: {  	s7 =	smul.u32 @!p0 $0xF7A, s2;
	p2 =	seq.s32 @!p0 s5, $0x0  }
0x1f: {  	s9 =	smul.u32 $0xF7A, s1;
	s8 =	simm.s32 @!p0 $0x1BF5;
	p2 =	por !p2, p0  }
0x20: {  	[sflag:s8] =	ssyncset.s32 @!p0 $0xFFFFF086;
	s6 =	sadd.s32 @!p0 s3, s7;
	s7 =	simm.s32 @!p0 $0x108  }
0x21: {  	s3 =	sadd.s32 s3, s9;
	s6 =	sadd.s32 @!p0 $0x88, s6;
	s7 =	simm.s32 @p2 $0x1082  }
0x22: {  	[simem:s7], [sflag:s8] =	dma.local @!p0 [hbm:s6], $0xF7A  }
0x23: {  	s9 =	sor.u32 $0xD0000000, s2;
	s6 =	simm.s32 $0x108;
	_ =	swait.ge @!p0 [sflag:s8], $0x0  }
0x24: {  	s3 =	sadd.s32 $0x88, s3;
	s6 =	simm.s32 @!p1 $0x1082;
	[sflag:s4] =	ssyncset.s32 $0xFFFFF086  }
0x25: {  	[simem:s6], [sflag:s4] =	dma.local [hbm:s3], $0xF7A  }
0x26: {  	[smem:$0x3F9E] =	sst s1;
	(tag) =	ssettag s2;
	_ =	strace s9  }
0x27: {  	s1 =	sld [smem:$0x3FAE]  }
0x28: {  	s2 =	sld [smem:$0x3FAF]  }
0x29: {  	s4 =	sld [smem:$0x3FB1]  }
0x2a: {  	p0 =	seq.s32 s5, $0x0;
	s5 =	sld [smem:$0x3FB2]  }
0x2b: {  	s6 =	sld [smem:$0x3FB3]  }
0x2c: {  	s7 =	sld [smem:$0x3FB4]  }
0x2d: {  	s3 =	simm.s32 $0x108;
	s8 =	sld [smem:$0x3FB5]  }
0x2e: {  	s3 =	simm.s32 @!p0 $0x1082;
	s9 =	sld [smem:$0x3FB6]  }
0x2f: {  	lr =	sadd.s32 s0, s3;
	s0 =	sld [smem:$0x3FAD]  }
0x30: {  	s3 =	sld [smem:$0x3FB0]  }
0x31: {  	[smem:$0x3FB9] =	sst s10  }
0x32: {  	s10 =	sld [smem:$0x3FB7];
	_ =	sdelay $0x3  }
0x33: {  	p0 =	seq.s32 s10, $0x1;
	s10 =	sld [smem:$0x3FB9];
	_ =	sdelay $0x3  }
0x34: {  	[smem:$0x3FB9] =	sst s10  }
0x35: {  	s10 =	sld [smem:$0x3FB8];
	_ =	sdelay $0x3  }
0x36: {  	p1 =	seq.s32 s10, $0x1;
	s10 =	sld [smem:$0x3FB9];
	_ =	sdelay $0x3  }
0x37: {  	[smem:$0x3FB9] =	sst s10  }
0x38: {  	s10 =	sld [smem:$0x3FBA]  }
0x39: {  	_ = 	snop;
	(pc) =	sbr.ind lr, $3  }
0x3a: {  	_ = 	snop  }
0x3b: {  	_ = 	snop  }
0x3c: {  	p2 =	seq.s32 s10, $0x1;
	s10 =	sld [smem:$0x3FB9]  }
0x3d: {  	_ =	shalt  }
0x3e: {  	_ =	shalt  }
0x3f: {  	_ =	shalt  }
0x40: {  	_ =	shalt  }
0x41: {  	_ =	shalt  }
0x42: {  	_ =	shalt  }
0x43: {  	_ =	shalt  }
0x44: {  	_ =	shalt  }
0x45: {  	_ =	shalt  }
0x46: {  	_ =	shalt  }
0x47: {  	_ =	shalt  }
0x48: {  	_ =	shalt  }
0x49: {  	_ =	shalt  }
0x4a: {  	_ =	shalt  }
0x4b: {  	_ =	shalt  }
0x4c: {  	_ =	shalt  }
0x4d: {  	_ =	shalt  }
0x4e: {  	_ =	shalt  }
0x4f: {  	_ =	shalt  }
0x50: {  	_ =	shalt  }
0x51: {  	_ =	shalt  }
0x52: {  	_ =	shalt  }
0x53: {  	_ =	shalt  }
0x54: {  	_ =	shalt  }
0x55: {  	_ =	shalt  }
0x56: {  	_ =	shalt  }
0x57: {  	_ =	shalt  }
0x58: {  	_ =	shalt  }
0x59: {  	_ =	shalt  }
0x5a: {  	_ =	shalt  }
0x5b: {  	_ =	shalt  }
0x5c: {  	_ =	shalt  }
0x5d: {  	_ =	shalt  }
0x5e: {  	_ =	shalt  }
0x5f: {  	_ =	shalt  }
0x60: {  	_ =	shalt  }
0x61: {  	_ =	shalt  }
0x62: {  	_ =	shalt  }
0x63: {  	_ =	shalt  }
0x64: {  	_ =	shalt  }
0x65: {  	_ =	shalt  }
0x66: {  	_ =	shalt  }
0x67: {  	_ =	shalt  }
0x68: {  	_ =	shalt  }
0x69: {  	_ =	shalt  }
0x6a: {  	_ =	shalt  }
0x6b: {  	_ =	shalt  }
0x6c: {  	_ =	shalt  }
0x6d: {  	_ =	shalt  }
0x6e: {  	_ =	shalt  }
0x6f: {  	_ =	shalt  }
0x70: {  	_ =	shalt  }
0x71: {  	_ =	shalt  }
0x72: {  	_ =	shalt  }
0x73: {  	_ =	shalt  }
0x74: {  	_ =	shalt  }
0x75: {  	_ =	shalt  }
0x76: {  	_ =	shalt  }
0x77: {  	_ =	shalt  }
0x78: {  	_ =	shalt  }
0x79: {  	_ =	shalt  }
0x7a: {  	_ =	shalt  }
0x7b: {  	_ =	shalt  }
0x7c: {  	_ =	shalt  }
0x7d: {  	_ =	shalt  }
0x7e: {  	_ =	shalt  }
0x7f: {  	_ =	shalt  }
0x80: {  	_ =	shalt  }
0x81: {  	_ =	shalt  }
0x82: {  	_ =	shalt  }
0x83: {  	_ =	shalt  }
0x84: {  	_ =	shalt  }
0x85: {  	_ =	shalt  }
0x86: {  	_ =	shalt  }
0x87: {  	_ =	shalt  }
.Lfunc_end0:
.L_simem_size_0:
called_computation_lowered:
.L_overlay_start_0:
0x88: {  	s0 =	sld [smem:$0x3FD9]  }
0x89: {  	s1 =	sld [smem:$0x3FFE];
	_ =	sdelay $0x3  }
0x8a: {  	s0 =	sadd.s32 s1, s0  }
0x8b: {  	[smem:$0x3FC5] =	sst s0  }
0x8c: {  	_ = 	snop  }
0x8d: {  	(tm) =	ssettm $0x1  }
0x8e: {  	s15 =	sld [smem:$0x3FFB];
	_ =	sdelay $0x3  }
0x8f: {  	_ =	strace s15  }
0x90: {  	s0 =	sld [smem:$0x3FFC];
	_ =	sdelay $0x3  }
0x91: {  	_ =	strace s0  }
0x92: {  	s0 =	sld [smem:$0x3FFD];
	_ =	sdelay $0x3  }
0x93: {  	_ =	strace s0  }
0x94: {  	_ =	strace $0x8FFFFFFF  }
0x95: {  	s16 =	sld [smem:$0x3FDB];
	_ =	sdelay $0x1  }
0x96: {  	s17 =	simm.s32 $_scs_section_size  }
0x97: {  	s2 =	simm.s32 $_size__tile_overlayer_lowered;
	s3 =	simm.s32 $_tile_overlayer_lowered  }
0x98: {  	s20 =	simm.s32 $0x1BFF;
	s19 =	sshll.u32 s3, $0x1;
	s0 =	sadd.s32 s17, s16  }
0x99: {  	s4 =	simm.s32 $0x0;
	s18 =	sshll.u32 s2, $0x1;
	s2 =	sadd.s32 s19, s0  }
0x9a: {  	[timem:s4], [sflag:s20] =	dma.local [hbm:s2], s18  }
0x9b: {  	_ =	swait.ge [sflag:s20], s18  }
0x9c: {  	s1 =	ssub.s32 $0x0, s18;
	[sflag:s20] =	ssyncset.done $0x0  }
0x9d: {  	[sflag:s20] =	ssyncadd.s32 s1;
	_ =	sdelay $0x1  }
0x9e: {  	s21 =	simm.s32 $0x1B8B  }
0x9f: {  	_ =	swait.ge [sflag:s21], $0x1  }
0xa0: {  	[sflag:s21] =	ssyncset.done $0x0  }
0xa1: {  	s23 =	simm.s32 $0x1B8E;
	s22 =	sld [smem:$0x3FFE];
	[sflag:s21] =	ssyncadd.s32 $0xFFFFFFFF  }
0xa2: {  	s24 =	simm.s32 $execute0_lowered;
	[smem:$0x3FD2] =	sst s23  }
0xa3: {  	s2 =	sshll.u32 s24, $0x1;
	_ =	strace $0x80000046;
	[dreg:$0x1] =	wrdreg $0xFFFFFFFF  }
0xa4: {  	s25 =	simm.s32 $_size_execute0_lowered;
	s0 =	sadd.s32 s0, s2;
	[dreg:$0x0] =	wrdreg $0x0  }
0xa5: {  	s2 =	sshll.u32 s25, $0x1;
	[dreg:$0x2] =	wrdreg s0  }
0xa6: {  	[dreg:$0x3] =	wrdreg s2  }
0xa7: {  	[dreg:$0x4] =	wrdreg $0xC0  }
0xa8: {  	_ =	task [dreg:s4], $0x5FFFF  }
0xa9: {  	[dreg:$0x1] =	wrdreg $0xFFFFFFFF  }
0xaa: {  	[dreg:$0x0] =	wrdreg $0x60  }
0xab: {  	[dreg:$0x2] =	wrdreg s22  }
0xac: {  	[dreg:$0x3] =	wrdreg $0x9  }
0xad: {  	_ =	task.clear_ibuf [dreg:s4], $0x4FFFF;
	_ =	strace $0x90000046  }
0xae: {  	s26 =	simm.s32 $0x9;
	_ =	strace $0x80000048  }
0xaf: {  	_ =	swait.ge [sflag:s26], $0x1  }
0xb0: {  	[sflag:s26] =	ssyncadd.s32 $0xFFFFFFFF  }
0xb1: {  	_ =	strace $0x90000048  }
0xb2: {  	_ =	sfence  }
0xb3: {  	s28 =	sld [smem:$0x0];
	_ =	sdelay $0x1  }
0xb4: {  	s29 =	srdreg.scid  }
0xb5: {  	s30 =	sshll.u32 s29, $0xD;
	s31 =	sshrl.u32 s29, $0x2  }
0xb6: {  	s1 =	sand.u32 $0x1, s29;
	s2 =	sand.u32 $0x4000, s30;
	s0 =	sadd.s32 s31, s28  }
0xb7: {  	s1 =	sor.u32 s2, s1;
	s0 =	sshll.u32 s0, $0x11  }
0xb8: {  	s0 =	sor.u32 s0, s1  }
0xb9: {  	s0 =	sadd.s32 $0x8F2B, s0  }
0xba: {  	[sflag:s0] =	ssyncadd.remote.s32 $0x1  }
0xbb: {  	_ =	sfence.sel $0xFFFF  }
0xbc: {  	[dreg:$0x0] =	wrdreg $0xFFFFFFFF;
	(pc) =	sbr.abs _section_cstart, $3  }
0xbd: {  	[dreg:$0x1] =	wrdreg $0xFFFFFFFF  }
0xbe: {  	_ =	task.clear_ibuf [dreg:s4], $0x2FFFF;
	_ =	strace $0x9FFFFFFF  }
0xbf: {  	(tm) =	ssettm $0x7FFFFFFF  }
tec
execute0_lowered:
.L_overlay_start_1:
0x0: {  	(tag) =	ssettag $0x1  }
0x1: {  	s0 =	stileid.u32  }
0x2: {  	s1 =	smin.u32 s0, $0x9  }
0x3: {  	s1 =	sadd.s32 s0, s1  }
0x4: {  	p0 =	slt.u32 s0, $0x9;
	s2 =	smul.u32 $0x50, s1;
	s1 =	simm.s32 $0xA0  }
0x5: {  	s1 =	simm.s32 @!p0 $0x50  }
0x6: {  	s1 =	sadd.s32 s1, s2  }
0x7: {  	s3 =	smin.u32 s1, $0x7D0  }
0x8: {  	s7 =	ssub.s32 s3, s2  }
0x9: {  	p0 =	sgt.s32 s7, $0x0  }
0xa: {  	s7 =	simm.s32 @!p0 $0x0  }
0xb: {  	s31 =	smul.u32 $0xCCCD, s7  }
0xc: {  	s4 =	rddreg [dreg:$0x0];
	s6 =	simm.s32 $0x1  }
0xd: {  	s10 =	simm.s32 $0x3;
	s13 =	simm.s32 $0x0;
	s8 =	sshrl.u32 s31, $0x16  }
0xe: {  	s12 =	simm.s32 $0x0;
	s5 =	sadd.s32 $0x200, s4;
	s9 =	smul.u32 $0x50, s8  }
.Ltmp0:
0xf: {  	s11 =	smov.u32 s2;
	s1 =	rddreg [dreg:$0x1];
	(pc) =	sbr.rel .LBB2_1-.Ltmp0, $4  }
0x10: {  	_ =	strace $0x80000047;
	p0 =	sne.s32 s7, s9;
	s9 =	simm.s32 $0x1  }
0x11: {  	[sflag:s6] =	ssyncpa.u1 $0x0;
	s7 =	simm.s32 $0x2;
	s9 =	simm.s32 @!p0 $0x0  }
0x12: {  	[sflag:s7] =	ssyncpa.u1 $0x0;
	p0 =	por $0x0, $0x0;
	s8 =	sadd.s32 s8, s9  }
0x13: {  	vm0 =	vmmov $0xff;
	vm1 =	vcmask $0x3F20;
	s9 =	sadd.s32 $0x4F000, s4;
	[sflag:s10] =	ssyncpa.u1 $0x0;
	s10 =	sadd.s32 $0x1, s8  }
.LBB2_6:
0x14: {  	[hbm:s17] =	stream.linear.scatter [tilespmem:s14], [sflag:$0x3], $0x400, $0x38;
	[tilespmem:$0x50A0] =	vst v63  }
.LBB2_7:
0x15: {  	s13 =	sadd.s32 $0x50, s11  }
0x16: {  	s15 =	smov.u32 s2;
	p2 =	slt.s32 s13, s3  }
0x17: {  	s15 =	smov.u32 @p2 s13;
	p2 =	sne.s32 s12, s10  }
.Ltmp1:
0x18: {  	p1 =	slt.u32 s12, $0x2;
	(pc) =	sbr.rel @!p2 .LBB2_8-.Ltmp1, $4  }
0x19: {  	s14 =	simm.s32 @!p1 $0x3  }
0x1a: {  	s16 =	sadd.s32 $0x1, s12;
	_ =	swait.ge @!p1 [sflag:s14], $0x2800  }
0x1b: {  	p0 =	por !p0, !p0;
	s13 =	smov.u32 s11;
	[sflag:s14] =	ssyncset.done @!p1 $0x0  }
0x1c: {  	s12 =	smov.u32 s16;
	s11 =	smov.u32 s15;
	[sflag:s14] =	ssyncadd.s32 @!p1 $0xFFFFD800  }
.LBB2_1:
0x1d: {  	p1 =	sge.u32 s12, s8  }
0x1e: {  	s14 =	sxor.u32 @!p1 $0xFFFFFFFF, s12  }
0x1f: {  	s14 =	sand.u32 @!p1 $0x1, s14  }
0x20: {  	s14 =	smul.u32 @!p1 $0x140, s14  }
0x21: {  	s31 =	sadd.s32 $0xFFFFFFFF, s12;
	s15 =	sshrl.u32 @!p1 s11, $0x3  }
0x22: {  	s16 =	sand.u32 @!p1 $0x7, s11;
	s15 =	sadd.s32 @!p1 s4, s15;
	s14 =	sshrl.u32 @!p1 s14, $0x2  }
0x23: {  	[tilespmem:s14], [sflag:$0x2] =	stream.linear.gather @!p1 [hbm4b:s15+s16], $0x50, $0x38;
	[tilespmem:$0x50A0] =	vst v63  }
0x24: {  	p1 =	sge.u32 s31, s8  }
.Ltmp2:
0x25: {  	_ = 	snop;
	(pc) =	sbr.rel @p1 .LBB2_7-.Ltmp2, $1  }
0x26: {  	_ =	sdelay $0x3  }
0x27: {  	s14 =	simm.s32 $0x1  }
0x28: {  	s14 =	simm.s32 @!p0 $0x0  }
0x29: {  	s15 =	smul.u32 $0x140, s14  }
0x2a: {  	_ =	swait.ge [sflag:s7], $0x50  }
0x2b: {  	[sflag:s7] =	ssyncset.done $0x0;
	s16 =	sshrl.u32 s15, $0x2  }
0x2c: {  	[sflag:s7] =	ssyncadd.s32 $0xFFFFFFB0;
	s15 =	sadd.s32 $0x0, s16  }
0x2d: {  	v0 =	vld.msk [tilespmem:s15+$0x0 ss:$0x1], $0xffff;
	_ =	sdelay $0x4  }
0x2e: {  	vm2 =	vgt.s32 v0, $0x0  }
0x2f: {  	v0 =	vnsel vm2, $0x0, v0  }
0x30: {  	v0 =	vmin.u32 v0, $0x4ECB  }
0x31: {  	v0 =	vshll.u32 v0, $0x4  }
0x32: {  	s14 =	smul.u32 $0xA000, s14;
	_ =	sdelay $0x1  }
0x33: {  	s14 =	sshrl.u32 s14, $0x2  }
0x34: {  	s14 =	sor.u32 $0xA0, s14  }
0x35: {  	[tilespmem:s14], [sflag:$0x1] =	stream.indirect_vreg.gather [hbm:s5], $0x80, v0, vm0, $0x38;
	[tilespmem:$0x50A0] =	vst v63  }
0x36: {  	s17 =	sadd.s32 $0x10, s16;
	s15 =	sadd.s32 $0x400, s14  }
0x37: {  	[tilespmem:s15], [sflag:$0x1] =	stream.indirect_vreg.gather [hbm:s5], $0x80, v0, vm1, $0x38;
	[tilespmem:$0x50A0] =	vst v63  }
0x38: {  	s18 =	simm.s32 $0x80;
	v0 =	vld.msk [tilespmem:s17+$0x0 ss:$0x1], $0xffff;
	s17 =	smov.u32 s14  }
.LBB2_3:
0x39: {  	p1 =	sne.s32 s18, $0x100;
	_ =	sdelay $0x4  }
0x3a: {  	vm2 =	vgt.s32 v0, $0x0  }
0x3b: {  	v0 =	vnsel vm2, $0x0, v0  }
0x3c: {  	v0 =	vmin.u32 v0, $0x4ECB  }
0x3d: {  	v0 =	vshll.u32 v0, $0x4;
	_ =	sdelay $0x3  }
.Ltmp3:
0x3e: {  	s19 =	sshra.s32 s18, $0x2;
	s17 =	sadd.s32 $0x800, s17;
	(pc) =	sbr.rel @p1 .LBB2_3-.Ltmp3, $4  }
0x3f: {  	[tilespmem:s17], [sflag:$0x1] =	stream.indirect_vreg.gather [hbm:s5], $0x80, v0, vm0, $0x38;
	[tilespmem:$0x50A0] =	vst v63  }
0x40: {  	s19 =	sadd.s32 s19, s16;
	s20 =	sadd.s32 $0x400, s17  }
0x41: {  	[tilespmem:s20], [sflag:$0x1] =	stream.indirect_vreg.gather [hbm:s5], $0x80, v0, vm1, $0x38;
	[tilespmem:$0x50A0] =	vst v63  }
0x42: {  	s18 =	sadd.s32 $0x40, s18;
	v0 =	vld.msk [tilespmem:s19+$0x0 ss:$0x1], $0xffff  }
0x43: {  	_ =	sdelay $0x3  }
0x44: {  	vm2 =	vgt.s32 v0, $0x0  }
0x45: {  	v0 =	vnsel vm2, $0x0, v0  }
0x46: {  	v0 =	vmin.u32 v0, $0x4ECB  }
0x47: {  	v0 =	vshll.u32 v0, $0x4;
	_ =	sdelay $0x3  }
0x48: {  	s16 =	sadd.s32 $0x800, s17  }
0x49: {  	[tilespmem:s16], [sflag:$0x1] =	stream.indirect_vreg.gather [hbm:s5], $0x80, v0, vm0, $0x38;
	[tilespmem:$0x50A0] =	vst v63  }
0x4a: {  	s16 =	sadd.s32 $0x400, s16  }
0x4b: {  	[tilespmem:s16], [sflag:$0x1] =	stream.indirect_vreg.gather [hbm:s5], $0x80, v0, vm1, $0x38;
	[tilespmem:$0x50A0] =	vst v63  }
0x4c: {  	s13 =	sshll.u32 s13, $0x4;
	_ =	swait.ge [sflag:s6], $0x2800  }
0x4d: {  	s13 =	sadd.s32 s13, s9;
	[sflag:s6] =	ssyncset.done $0x0  }
0x4e: {  	s17 =	sadd.s32 $0x0, s13;
	s16 =	simm.s32 $0x80;
	[sflag:s6] =	ssyncadd.s32 $0xFFFFD800  }
.LBB2_5:
0x4f: {  	[hbm:s17] =	stream.linear.scatter [tilespmem:s14], [sflag:$0x3], $0x400, $0x38;
	[tilespmem:$0x50A0] =	vst v63  }
0x50: {  	s17 =	smov.u32 s16;
	s14 =	smov.u32 s15;
	p1 =	sne.s32 s16, $0x480  }
.Ltmp4:
0x51: {  	s16 =	sadd.s32 $0x80, s16;
	(pc) =	sbr.rel @p1 .LBB2_5-.Ltmp4, $2  }
0x52: {  	_ =	sdelay $0x2  }
0x53: {  	s15 =	sadd.s32 $0x400, s15;
	s17 =	sadd.s32 s17, s13  }
.Ltmp5:
0x54: {  	_ = 	snop;
	(pc) =	sbr.rel .LBB2_6-.Ltmp5, $1  }
0x55: {  	_ =	sdelay $0x3  }
.LBB2_8:
0x56: {  	_ =	sfence.sel $0x180000  }
0x57: {  	s2 =	simm.s32 $0x2;
	[bflag:$0x0] =	sbarrier.arrive $0xFFFF  }
0x58: {  	s30 =	simm.s32 $0x3;
	[sflag:s2] =	ssyncpa.u1 $0x1  }
0x59: {  	s31 =	simm.s32 $0x1;
	[sflag:s30] =	ssyncpa.u1 $0x1  }
0x5a: {  	[sflag:s31] =	ssyncpa.u1 $0x1  }
0x5b: {  	p0 =	sne.s32 s0, $0x0;
	_ =	strace $0x90000047  }
0x5c: {  	s0 =	sadd.s32 @!p0 $0x100000, s1;
	[bflag:$0x2] =	sbarrier.arrive $0xFFFF  }
0x5d: {  	[sflag:s0] =	ssyncadd.tile.s32 @!p0 $0x1;
	_ =	shalt  }
.Lfunc_end2:
_tile_overlayer_lowered:
.L_overlay_start_2:
0x5e: {  	(tag) =	ssettag $0x2  }
0x5f: {  	s0 =	rddreg [dreg:$0x0];
	s2 =	stileid.u32  }
0x60: {  	s1 =	rddreg [dreg:$0x1];
	p0 =	sne.s32 s2, $0x0  }
0x61: {  	s3 =	rddreg [dreg:$0x2];
	[bflag:$0x3] =	sbarrier.arrive $0xFFFF;
	s2 =	simm.s32 @!p0 $0x1C01  }
0x62: {  	[timem:s3], [sflag:s2] =	dma.local @!p0 [hbm:s0], s1  }
0x63: {  	s0 =	simm.s32 @!p0 $0x1  }
0x64: {  	_ =	swait.ge @!p0 [sflag:s0], s1  }
0x65: {  	s1 =	ssub.s32 @!p0 $0x0, s1;
	[sflag:s0] =	ssyncset.done @!p0 $0x0  }
0x66: {  	[sflag:s0] =	ssyncadd.s32 @!p0 s1  }
0x67: {  	[bflag:$0x3] =	sbarrier.arrive $0xFFFF  }
0x68: {  	_ =	shalt  }

</sc_bundles>
